<compile_context>
chip_gen: v7x
topology: tpu7x:2x2x1
jax: 0.10.2.dev20260603
libtpu: 0.0.44.dev20260713+nightly
codegen_flags: <defaults>
</compile_context>

<pallas_src>
import jax
import jax.numpy as jnp
from jax import lax
from jax.experimental import pallas as pl
from jax.experimental.pallas import tpu as pltpu
from jax.experimental.pallas import tpu_sc as plsc

N = 10000
E = 320000
D = 128
BN_EPS = 1e-5

NC = 2
NS = 16
NW = NC * NS

K = 128
NCH = 79
EPT = NCH * K
E_PAD = NW * EPT
N_PAD = 10112
RPS = N_PAD // NS


def _sc_segment_sum_body(x_hbm, zeros_hbm, src_hbm, dst_hbm, out_hbm,
                         src_v, dst_v, rows_v, acc_sh, sem):
    c = lax.axis_index("c")
    s = lax.axis_index("s")
    wid = s * NC + c

    pltpu.sync_copy(zeros_hbm.at[pl.ds(s * RPS, RPS)],
                    acc_sh.at[pl.ds(s * RPS, RPS)])
    plsc.subcore_barrier()

    def chunk(i, carry):
        pltpu.sync_copy(src_hbm.at[wid, i], src_v)
        pltpu.sync_copy(dst_hbm.at[wid, i], dst_v)
        pltpu.async_copy(x_hbm.at[src_v], rows_v, sem).wait()
        pltpu.sync_copy(rows_v, acc_sh.at[dst_v], add=True)
        return carry

    lax.fori_loop(0, NCH, chunk, 0)
    plsc.subcore_barrier()

    pltpu.sync_copy(acc_sh.at[pl.ds(s * RPS, RPS)],
                    out_hbm.at[c, pl.ds(s * RPS, RPS)])


_sc_segment_sum = pl.kernel(
    _sc_segment_sum_body,
    out_type=jax.ShapeDtypeStruct((NC, N_PAD, D), jnp.float32),
    mesh=plsc.VectorSubcoreMesh(core_axis_name="c", subcore_axis_name="s",
                                num_cores=NC, num_subcores=NS),
    scratch_types=[
        pltpu.VMEM((K,), jnp.int32),
        pltpu.VMEM((K,), jnp.int32),
        pltpu.VMEM((K, D), jnp.float32),
        pltpu.VMEM_SHARED((N_PAD, D), jnp.float32),
        pltpu.SemaphoreType.DMA,
    ],
)


def _dense_body(x_ref, agg_ref, w_ref, b_ref, g_ref, be_ref, o_ref):
    h = x_ref[...] + agg_ref[0, :N, :] + agg_ref[1, :N, :]
    z = jnp.dot(h, w_ref[...], preferred_element_type=jnp.float32) + b_ref[...]
    mu = jnp.mean(z, axis=0, keepdims=True)
    zc = z - mu
    var = jnp.mean(zc * zc, axis=0, keepdims=True)
    y = g_ref[...] * zc * lax.rsqrt(var + BN_EPS) + be_ref[...]
    o_ref[...] = jnp.maximum(y, 0.0)


_dense_layer = pl.pallas_call(
    _dense_body,
    out_shape=jax.ShapeDtypeStruct((N, D), jnp.float32),
)


def kernel(g, features, W1, b1, gamma1, beta1, W2, b2, gamma2, beta2):
    src = g[0]
    dst = g[1]
    pad = E_PAD - E
    srcp = jnp.concatenate([src, jnp.zeros((pad,), jnp.int32)]).reshape(NW, NCH, K)
    dstp = jnp.concatenate([dst, jnp.full((pad,), N, jnp.int32)]).reshape(NW, NCH, K)
    zeros = jnp.zeros((N_PAD, D), jnp.float32)

    b1r, g1r, be1r = b1.reshape(1, D), gamma1.reshape(1, D), beta1.reshape(1, D)
    b2r, g2r, be2r = b2.reshape(1, D), gamma2.reshape(1, D), beta2.reshape(1, D)

    agg1 = _sc_segment_sum(features, zeros, srcp, dstp)
    y1 = _dense_layer(features, agg1, W1, b1r, g1r, be1r)
    agg2 = _sc_segment_sum(y1, zeros, srcp, dstp)
    y2 = _dense_layer(y1, agg2, W2, b2r, g2r, be2r)
    return y2

# --- scband reference (transcript-rebuilt; emitter-appended) ---
"""Pipeline reference for scband-network-representation-module-gin-57346403336484 (READ-ONLY COPY).

The authoritative reference and input builder live on the scoring server;
editing this copy changes nothing except your own understanding.
"""

import jax, jax.numpy as jnp
import numpy as np

N_NODES = 10000
N_EDGES = 320000
D_IN = 128
D_HID = 128
BN_EPS = 1e-5
GIN_EPS = 0.0


def setup_inputs(seed: int = 0) -> dict:
    key = jax.random.key(seed)
    ks = jax.random.split(key, 12)
    features = jax.random.normal(ks[0], (N_NODES, D_IN), dtype=jnp.float32)
    g = jax.random.randint(ks[1], (2, N_EDGES), 0, N_NODES, dtype=jnp.int32)
    s1 = 1.0 / np.sqrt(D_IN)
    s2 = 1.0 / np.sqrt(D_HID)
    W1 = jax.random.normal(ks[2], (D_IN, D_HID), dtype=jnp.float32) * s1
    b1 = jnp.zeros((D_HID,), dtype=jnp.float32)
    gamma1 = jnp.ones((D_HID,), dtype=jnp.float32)
    beta1 = jnp.zeros((D_HID,), dtype=jnp.float32)
    W2 = jax.random.normal(ks[3], (D_HID, D_HID), dtype=jnp.float32) * s2
    b2 = jnp.zeros((D_HID,), dtype=jnp.float32)
    gamma2 = jnp.ones((D_HID,), dtype=jnp.float32)
    beta2 = jnp.zeros((D_HID,), dtype=jnp.float32)
    return {"g": g, "features": features, "W1": W1, "b1": b1,
            "gamma1": gamma1, "beta1": beta1, "W2": W2, "b2": b2,
            "gamma2": gamma2, "beta2": beta2}


def _gin_conv(x, src, dst, W, b):
    # GIN aggregation: (1 + eps) * x + sum_{j in N(i)} x_j, then linear
    msgs = jnp.take(x, src, axis=0)
    agg = jax.ops.segment_sum(msgs, dst, num_segments=N_NODES)
    h = (1.0 + GIN_EPS) * x + agg
    return h @ W + b


def _batch_norm(x, gamma, beta):
    mu = jnp.mean(x, axis=0)
    var = jnp.var(x, axis=0)
    return gamma * (x - mu) / jnp.sqrt(var + BN_EPS) + beta


def reference(g, features, W1, b1, gamma1, beta1, W2, b2, gamma2, beta2):
    src = g[0]
    dst = g[1]
    x = _gin_conv(features, src, dst, W1, b1)
    x = _batch_norm(x, gamma1, beta1)
    x = jax.nn.relu(x)
    x = _gin_conv(x, src, dst, W2, b2)
    x = _batch_norm(x, gamma2, beta2)
    x = jax.nn.relu(x)
    return x

if __name__ == "__main__":
    import jax
    _d = setup_inputs()
    print(jax.jit(kernel)(*tuple(_d.values())))

</pallas_src>

<mosaic_0001>
#map = affine_map<(d0, d1) -> (0, 0)>
#map1 = affine_map<(d0, d1) -> (0, 0, 0)>
module attributes {stable_mosaic.version = 14 : i64} {
  func.func @_sc_segment_sum_body(%arg0: i32, %arg1: i32, %arg2: memref<10000x128xf32, #tpu.memory_space<hbm>>, %arg3: memref<10112x128xf32, #tpu.memory_space<hbm>>, %arg4: memref<32x79x128xi32, #tpu.memory_space<hbm>>, %arg5: memref<32x79x128xi32, #tpu.memory_space<hbm>>, %arg6: memref<2x10112x128xf32, #tpu.memory_space<hbm>>, %arg7: memref<128xi32, #tpu.memory_space<vmem>>, %arg8: memref<128xi32, #tpu.memory_space<vmem>>, %arg9: memref<128x128xf32, #tpu.memory_space<vmem>>, %arg10: memref<10112x128xf32, #tpu.memory_space<vmem_shared>>, %arg11: memref<!tpu.dma_semaphore, #tpu.memory_space<semaphore_mem>>) attributes {dimension_semantics = [#tpu.dimension_semantics<core_parallel>, #tpu.dimension_semantics<subcore_parallel>], iteration_bounds = array<i64: 2, 16>, scalar_prefetch = 0 : i64, scratch_operands = 5 : i64, tpu.core_type = #tpu.core_type<sc_vector_subcore>, window_params = [{transform_indices = #map}, {transform_indices = #map}, {transform_indices = #map1}, {transform_indices = #map1}, {transform_indices = #map1}]} {
    %mul3A = arith.constant 2 : i32
    %mul3A_0 = arith.muli %arg1, %mul3A : i32
    %add3A = arith.addi %mul3A_0, %arg0 : i32
    %mul3A_1 = arith.constant 632 : i32
    %mul3A_2 = arith.muli %arg1, %mul3A_1 : i32
    %mul3A_3 = arith.constant 632 : i32
    %mul3A_4 = arith.muli %arg1, %mul3A_3 : i32
    "tpu.region"() ({
      %run_scoped3A = tpu.sem_alloc : memref<!tpu.dma_semaphore, #tpu.memory_space<semaphore_mem>>
      %dma_start3A = arith.constant 0 : i32
      %dma_start3A_15 = tpu.memref_slice %arg10[%mul3A_4, %dma_start3A] : memref<10112x128xf32, #tpu.memory_space<vmem_shared>> -> memref<632x128xf32, #tpu.memory_space<vmem_shared>>
      %dma_start3A_16 = arith.constant 0 : i32
      %dma_start3A_17 = tpu.memref_slice %arg3[%mul3A_2, %dma_start3A_16] : memref<10112x128xf32, #tpu.memory_space<hbm>> -> memref<632x128xf32, #tpu.memory_space<hbm>>
      tpu.enqueue_dma source(%dma_start3A_17 : memref<632x128xf32, #tpu.memory_space<hbm>>) target(%dma_start3A_15 : memref<632x128xf32, #tpu.memory_space<vmem_shared>>) target_semaphore(%run_scoped3A : memref<!tpu.dma_semaphore, #tpu.memory_space<semaphore_mem>>)
      %dma_wait3A = arith.constant 0 : i32
      %dma_wait3A_18 = tpu.memref_slice %arg10[%mul3A_4, %dma_wait3A] : memref<10112x128xf32, #tpu.memory_space<vmem_shared>> -> memref<632x128xf32, #tpu.memory_space<vmem_shared>>
      %dma_wait3A_19 = arith.constant 0 : i32
      %dma_wait3A_20 = tpu.memref_slice %arg3[%mul3A_2, %dma_wait3A_19] : memref<10112x128xf32, #tpu.memory_space<hbm>> -> memref<632x128xf32, #tpu.memory_space<hbm>>
      tpu.wait_dma2 semaphore(%run_scoped3A : memref<!tpu.dma_semaphore, #tpu.memory_space<semaphore_mem>>) src(%dma_wait3A_20 : memref<632x128xf32, #tpu.memory_space<hbm>>) dst(%dma_wait3A_18 : memref<632x128xf32, #tpu.memory_space<vmem_shared>>)
      tpu.yield
    }) : () -> ()
    %barrier3A = arith.constant 0 : index
    tpu.barrier barrier_id(%barrier3A)
    %scan3A = arith.constant 0 : i32
    %scan3A_5 = arith.constant 0 : i32
    %scan3A_6 = arith.constant 79 : i32
    %scan3A_7 = arith.addi %scan3A_5, %scan3A_6 : i32
    %scan3A_8 = arith.constant 1 : i32
    scf.for %scan3A_15 = %scan3A_5 to %scan3A_7 step %scan3A_8  : i32 {
      "tpu.region"() ({
        %run_scoped3A = tpu.sem_alloc : memref<!tpu.dma_semaphore, #tpu.memory_space<semaphore_mem>>
        %dma_start3A_20 = arith.constant 0 : i32
        %dma_start3A_21 = tpu.memref_slice %arg4[%add3A, %scan3A_15, %dma_start3A_20] : memref<32x79x128xi32, #tpu.memory_space<hbm>> -> memref<1x1x128xi32, #tpu.memory_space<hbm>>
        %dma_start3A_22 = tpu.memref_squeeze %dma_start3A_21 : memref<1x1x128xi32, #tpu.memory_space<hbm>> -> memref<128xi32, #tpu.memory_space<hbm>>
        %dma_start3A_23 = arith.constant 0 : i32
        %dma_start3A_24 = tpu.memref_slice %arg4[%add3A, %scan3A_15, %dma_start3A_23] : memref<32x79x128xi32, #tpu.memory_space<hbm>> -> memref<1x1x128xi32, #tpu.memory_space<hbm>>
        %dma_start3A_25 = tpu.memref_squeeze %dma_start3A_24 : memref<1x1x128xi32, #tpu.memory_space<hbm>> -> memref<128xi32, #tpu.memory_space<hbm>>
        tpu.enqueue_dma source(%dma_start3A_25 : memref<128xi32, #tpu.memory_space<hbm>>) target(%arg7 : memref<128xi32, #tpu.memory_space<vmem>>) target_semaphore(%run_scoped3A : memref<!tpu.dma_semaphore, #tpu.memory_space<semaphore_mem>>)
        %dma_wait3A_26 = arith.constant 0 : i32
        %dma_wait3A_27 = tpu.memref_slice %arg4[%add3A, %scan3A_15, %dma_wait3A_26] : memref<32x79x128xi32, #tpu.memory_space<hbm>> -> memref<1x1x128xi32, #tpu.memory_space<hbm>>
        %dma_wait3A_28 = tpu.memref_squeeze %dma_wait3A_27 : memref<1x1x128xi32, #tpu.memory_space<hbm>> -> memref<128xi32, #tpu.memory_space<hbm>>
        %dma_wait3A_29 = arith.constant 0 : i32
        %dma_wait3A_30 = tpu.memref_slice %arg4[%add3A, %scan3A_15, %dma_wait3A_29] : memref<32x79x128xi32, #tpu.memory_space<hbm>> -> memref<1x1x128xi32, #tpu.memory_space<hbm>>
        %dma_wait3A_31 = tpu.memref_squeeze %dma_wait3A_30 : memref<1x1x128xi32, #tpu.memory_space<hbm>> -> memref<128xi32, #tpu.memory_space<hbm>>
        tpu.wait_dma2 semaphore(%run_scoped3A : memref<!tpu.dma_semaphore, #tpu.memory_space<semaphore_mem>>) src(%dma_wait3A_31 : memref<128xi32, #tpu.memory_space<hbm>>) dst(%arg7 : memref<128xi32, #tpu.memory_space<vmem>>)
        tpu.yield
      }) : () -> ()
      "tpu.region"() ({
        %run_scoped3A = tpu.sem_alloc : memref<!tpu.dma_semaphore, #tpu.memory_space<semaphore_mem>>
        %dma_start3A_20 = arith.constant 0 : i32
        %dma_start3A_21 = tpu.memref_slice %arg5[%add3A, %scan3A_15, %dma_start3A_20] : memref<32x79x128xi32, #tpu.memory_space<hbm>> -> memref<1x1x128xi32, #tpu.memory_space<hbm>>
        %dma_start3A_22 = tpu.memref_squeeze %dma_start3A_21 : memref<1x1x128xi32, #tpu.memory_space<hbm>> -> memref<128xi32, #tpu.memory_space<hbm>>
        %dma_start3A_23 = arith.constant 0 : i32
        %dma_start3A_24 = tpu.memref_slice %arg5[%add3A, %scan3A_15, %dma_start3A_23] : memref<32x79x128xi32, #tpu.memory_space<hbm>> -> memref<1x1x128xi32, #tpu.memory_space<hbm>>
        %dma_start3A_25 = tpu.memref_squeeze %dma_start3A_24 : memref<1x1x128xi32, #tpu.memory_space<hbm>> -> memref<128xi32, #tpu.memory_space<hbm>>
        tpu.enqueue_dma source(%dma_start3A_25 : memref<128xi32, #tpu.memory_space<hbm>>) target(%arg8 : memref<128xi32, #tpu.memory_space<vmem>>) target_semaphore(%run_scoped3A : memref<!tpu.dma_semaphore, #tpu.memory_space<semaphore_mem>>)
        %dma_wait3A_26 = arith.constant 0 : i32
        %dma_wait3A_27 = tpu.memref_slice %arg5[%add3A, %scan3A_15, %dma_wait3A_26] : memref<32x79x128xi32, #tpu.memory_space<hbm>> -> memref<1x1x128xi32, #tpu.memory_space<hbm>>
        %dma_wait3A_28 = tpu.memref_squeeze %dma_wait3A_27 : memref<1x1x128xi32, #tpu.memory_space<hbm>> -> memref<128xi32, #tpu.memory_space<hbm>>
        %dma_wait3A_29 = arith.constant 0 : i32
        %dma_wait3A_30 = tpu.memref_slice %arg5[%add3A, %scan3A_15, %dma_wait3A_29] : memref<32x79x128xi32, #tpu.memory_space<hbm>> -> memref<1x1x128xi32, #tpu.memory_space<hbm>>
        %dma_wait3A_31 = tpu.memref_squeeze %dma_wait3A_30 : memref<1x1x128xi32, #tpu.memory_space<hbm>> -> memref<128xi32, #tpu.memory_space<hbm>>
        tpu.wait_dma2 semaphore(%run_scoped3A : memref<!tpu.dma_semaphore, #tpu.memory_space<semaphore_mem>>) src(%dma_wait3A_31 : memref<128xi32, #tpu.memory_space<hbm>>) dst(%arg8 : memref<128xi32, #tpu.memory_space<vmem>>)
        tpu.yield
      }) : () -> ()
      %dma_start3A = arith.constant 0 : i32
      %dma_start3A_16 = arith.constant 0 : i32
      %dma_start3A_17 = tpu.memref_slice %arg2[%dma_start3A, %dma_start3A_16] : memref<10000x128xf32, #tpu.memory_space<hbm>> -> memref<10000x128xf32, #tpu.memory_space<hbm>>
      tpu.enqueue_indirect_dma source(%dma_start3A_17 : memref<10000x128xf32, #tpu.memory_space<hbm>>) target(%arg9 : memref<128x128xf32, #tpu.memory_space<vmem>>) offsets(%arg7 : memref<128xi32, #tpu.memory_space<vmem>>) semaphore(%arg11 : memref<!tpu.dma_semaphore, #tpu.memory_space<semaphore_mem>>)
      %dma_wait3A = arith.constant 0 : i32
      %dma_wait3A_18 = arith.constant 0 : i32
      %dma_wait3A_19 = tpu.memref_slice %arg2[%dma_wait3A, %dma_wait3A_18] : memref<10000x128xf32, #tpu.memory_space<hbm>> -> memref<10000x128xf32, #tpu.memory_space<hbm>>
      tpu.wait_indirect_dma semaphore(%arg11 : memref<!tpu.dma_semaphore, #tpu.memory_space<semaphore_mem>>) src(%dma_wait3A_19 : memref<10000x128xf32, #tpu.memory_space<hbm>>) dst(%arg9 : memref<128x128xf32, #tpu.memory_space<vmem>>)
      "tpu.region"() ({
        %run_scoped3A = tpu.sem_alloc : memref<!tpu.dma_semaphore, #tpu.memory_space<semaphore_mem>>
        %dma_start3A_20 = arith.constant 0 : i32
        %dma_start3A_21 = arith.constant 0 : i32
        %dma_start3A_22 = tpu.memref_slice %arg10[%dma_start3A_20, %dma_start3A_21] : memref<10112x128xf32, #tpu.memory_space<vmem_shared>> -> memref<10112x128xf32, #tpu.memory_space<vmem_shared>>
        tpu.enqueue_indirect_dma source(%arg9 : memref<128x128xf32, #tpu.memory_space<vmem>>) target(%dma_start3A_22 : memref<10112x128xf32, #tpu.memory_space<vmem_shared>>) offsets(%arg8 : memref<128xi32, #tpu.memory_space<vmem>>) semaphore(%run_scoped3A : memref<!tpu.dma_semaphore, #tpu.memory_space<semaphore_mem>>) {add = true}
        %dma_wait3A_23 = arith.constant 0 : i32
        %dma_wait3A_24 = arith.constant 0 : i32
        %dma_wait3A_25 = tpu.memref_slice %arg10[%dma_wait3A_23, %dma_wait3A_24] : memref<10112x128xf32, #tpu.memory_space<vmem_shared>> -> memref<10112x128xf32, #tpu.memory_space<vmem_shared>>
        tpu.wait_indirect_dma semaphore(%run_scoped3A : memref<!tpu.dma_semaphore, #tpu.memory_space<semaphore_mem>>) src(%arg9 : memref<128x128xf32, #tpu.memory_space<vmem>>) dst(%dma_wait3A_25 : memref<10112x128xf32, #tpu.memory_space<vmem_shared>>)
        tpu.yield
      }) : () -> ()
    }
    %scan3A_9 = arith.constant 79 : i32
    %barrier3A_10 = arith.constant 0 : index
    tpu.barrier barrier_id(%barrier3A_10)
    %mul3A_11 = arith.constant 632 : i32
    %mul3A_12 = arith.muli %arg1, %mul3A_11 : i32
    %mul3A_13 = arith.constant 632 : i32
    %mul3A_14 = arith.muli %arg1, %mul3A_13 : i32
    "tpu.region"() ({
      %run_scoped3A = tpu.sem_alloc : memref<!tpu.dma_semaphore, #tpu.memory_space<semaphore_mem>>
      %dma_start3A = arith.constant 0 : i32
      %dma_start3A_15 = tpu.memref_slice %arg6[%arg0, %mul3A_14, %dma_start3A] : memref<2x10112x128xf32, #tpu.memory_space<hbm>> -> memref<1x632x128xf32, #tpu.memory_space<hbm>>
      %dma_start3A_16 = tpu.memref_squeeze %dma_start3A_15 : memref<1x632x128xf32, #tpu.memory_space<hbm>> -> memref<632x128xf32, #tpu.memory_space<hbm>>
      %dma_start3A_17 = arith.constant 0 : i32
      %dma_start3A_18 = tpu.memref_slice %arg10[%mul3A_12, %dma_start3A_17] : memref<10112x128xf32, #tpu.memory_space<vmem_shared>> -> memref<632x128xf32, #tpu.memory_space<vmem_shared>>
      tpu.enqueue_dma source(%dma_start3A_18 : memref<632x128xf32, #tpu.memory_space<vmem_shared>>) target(%dma_start3A_16 : memref<632x128xf32, #tpu.memory_space<hbm>>) target_semaphore(%run_scoped3A : memref<!tpu.dma_semaphore, #tpu.memory_space<semaphore_mem>>)
      %dma_wait3A = arith.constant 0 : i32
      %dma_wait3A_19 = tpu.memref_slice %arg6[%arg0, %mul3A_14, %dma_wait3A] : memref<2x10112x128xf32, #tpu.memory_space<hbm>> -> memref<1x632x128xf32, #tpu.memory_space<hbm>>
      %dma_wait3A_20 = tpu.memref_squeeze %dma_wait3A_19 : memref<1x632x128xf32, #tpu.memory_space<hbm>> -> memref<632x128xf32, #tpu.memory_space<hbm>>
      %dma_wait3A_21 = arith.constant 0 : i32
      %dma_wait3A_22 = tpu.memref_slice %arg10[%mul3A_12, %dma_wait3A_21] : memref<10112x128xf32, #tpu.memory_space<vmem_shared>> -> memref<632x128xf32, #tpu.memory_space<vmem_shared>>
      tpu.wait_dma2 semaphore(%run_scoped3A : memref<!tpu.dma_semaphore, #tpu.memory_space<semaphore_mem>>) src(%dma_wait3A_22 : memref<632x128xf32, #tpu.memory_space<vmem_shared>>) dst(%dma_wait3A_20 : memref<632x128xf32, #tpu.memory_space<hbm>>)
      tpu.yield
    }) : () -> ()
    return
  }
}

#map = affine_map<(d0, d1) -> (0, 0)>
#map1 = affine_map<(d0, d1) -> (0, 0, 0)>
module attributes {stable_mosaic.version = 14 : i64} {
  func.func @_sc_segment_sum_body(%arg0: i32, %arg1: i32, %arg2: memref<10000x128xf32, #tpu.memory_space<hbm>>, %arg3: memref<10112x128xf32, #tpu.memory_space<hbm>>, %arg4: memref<32x79x128xi32, #tpu.memory_space<hbm>>, %arg5: memref<32x79x128xi32, #tpu.memory_space<hbm>>, %arg6: memref<2x10112x128xf32, #tpu.memory_space<hbm>>, %arg7: memref<128xi32, #tpu.memory_space<vmem>>, %arg8: memref<128xi32, #tpu.memory_space<vmem>>, %arg9: memref<128x128xf32, #tpu.memory_space<vmem>>, %arg10: memref<10112x128xf32, #tpu.memory_space<vmem_shared>>, %arg11: memref<!tpu.dma_semaphore, #tpu.memory_space<semaphore_mem>>) attributes {dimension_semantics = [#tpu.dimension_semantics<core_parallel>, #tpu.dimension_semantics<subcore_parallel>], iteration_bounds = array<i64: 2, 16>, scalar_prefetch = 0 : i64, scratch_operands = 5 : i64, tpu.core_type = #tpu.core_type<sc_vector_subcore>, window_params = [{transform_indices = #map}, {transform_indices = #map}, {transform_indices = #map1}, {transform_indices = #map1}, {transform_indices = #map1}]} {
    %mul3A = arith.constant 2 : i32
    %mul3A_0 = arith.muli %arg1, %mul3A : i32
    %add3A = arith.addi %mul3A_0, %arg0 : i32
    %mul3A_1 = arith.constant 632 : i32
    %mul3A_2 = arith.muli %arg1, %mul3A_1 : i32
    %mul3A_3 = arith.constant 632 : i32
    %mul3A_4 = arith.muli %arg1, %mul3A_3 : i32
    "tpu.region"() ({
      %run_scoped3A = tpu.sem_alloc : memref<!tpu.dma_semaphore, #tpu.memory_space<semaphore_mem>>
      %dma_start3A = arith.constant 0 : i32
      %dma_start3A_15 = tpu.memref_slice %arg10[%mul3A_4, %dma_start3A] : memref<10112x128xf32, #tpu.memory_space<vmem_shared>> -> memref<632x128xf32, #tpu.memory_space<vmem_shared>>
      %dma_start3A_16 = arith.constant 0 : i32
      %dma_start3A_17 = tpu.memref_slice %arg3[%mul3A_2, %dma_start3A_16] : memref<10112x128xf32, #tpu.memory_space<hbm>> -> memref<632x128xf32, #tpu.memory_space<hbm>>
      tpu.enqueue_dma source(%dma_start3A_17 : memref<632x128xf32, #tpu.memory_space<hbm>>) target(%dma_start3A_15 : memref<632x128xf32, #tpu.memory_space<vmem_shared>>) target_semaphore(%run_scoped3A : memref<!tpu.dma_semaphore, #tpu.memory_space<semaphore_mem>>)
      %dma_wait3A = arith.constant 0 : i32
      %dma_wait3A_18 = tpu.memref_slice %arg10[%mul3A_4, %dma_wait3A] : memref<10112x128xf32, #tpu.memory_space<vmem_shared>> -> memref<632x128xf32, #tpu.memory_space<vmem_shared>>
      %dma_wait3A_19 = arith.constant 0 : i32
      %dma_wait3A_20 = tpu.memref_slice %arg3[%mul3A_2, %dma_wait3A_19] : memref<10112x128xf32, #tpu.memory_space<hbm>> -> memref<632x128xf32, #tpu.memory_space<hbm>>
      tpu.wait_dma2 semaphore(%run_scoped3A : memref<!tpu.dma_semaphore, #tpu.memory_space<semaphore_mem>>) src(%dma_wait3A_20 : memref<632x128xf32, #tpu.memory_space<hbm>>) dst(%dma_wait3A_18 : memref<632x128xf32, #tpu.memory_space<vmem_shared>>)
      tpu.yield
    }) : () -> ()
    %barrier3A = arith.constant 0 : index
    tpu.barrier barrier_id(%barrier3A)
    %scan3A = arith.constant 0 : i32
    %scan3A_5 = arith.constant 0 : i32
    %scan3A_6 = arith.constant 79 : i32
    %scan3A_7 = arith.addi %scan3A_5, %scan3A_6 : i32
    %scan3A_8 = arith.constant 1 : i32
    scf.for %scan3A_15 = %scan3A_5 to %scan3A_7 step %scan3A_8  : i32 {
      "tpu.region"() ({
        %run_scoped3A = tpu.sem_alloc : memref<!tpu.dma_semaphore, #tpu.memory_space<semaphore_mem>>
        %dma_start3A_20 = arith.constant 0 : i32
        %dma_start3A_21 = tpu.memref_slice %arg4[%add3A, %scan3A_15, %dma_start3A_20] : memref<32x79x128xi32, #tpu.memory_space<hbm>> -> memref<1x1x128xi32, #tpu.memory_space<hbm>>
        %dma_start3A_22 = tpu.memref_squeeze %dma_start3A_21 : memref<1x1x128xi32, #tpu.memory_space<hbm>> -> memref<128xi32, #tpu.memory_space<hbm>>
        %dma_start3A_23 = arith.constant 0 : i32
        %dma_start3A_24 = tpu.memref_slice %arg4[%add3A, %scan3A_15, %dma_start3A_23] : memref<32x79x128xi32, #tpu.memory_space<hbm>> -> memref<1x1x128xi32, #tpu.memory_space<hbm>>
        %dma_start3A_25 = tpu.memref_squeeze %dma_start3A_24 : memref<1x1x128xi32, #tpu.memory_space<hbm>> -> memref<128xi32, #tpu.memory_space<hbm>>
        tpu.enqueue_dma source(%dma_start3A_25 : memref<128xi32, #tpu.memory_space<hbm>>) target(%arg7 : memref<128xi32, #tpu.memory_space<vmem>>) target_semaphore(%run_scoped3A : memref<!tpu.dma_semaphore, #tpu.memory_space<semaphore_mem>>)
        %dma_wait3A_26 = arith.constant 0 : i32
        %dma_wait3A_27 = tpu.memref_slice %arg4[%add3A, %scan3A_15, %dma_wait3A_26] : memref<32x79x128xi32, #tpu.memory_space<hbm>> -> memref<1x1x128xi32, #tpu.memory_space<hbm>>
        %dma_wait3A_28 = tpu.memref_squeeze %dma_wait3A_27 : memref<1x1x128xi32, #tpu.memory_space<hbm>> -> memref<128xi32, #tpu.memory_space<hbm>>
        %dma_wait3A_29 = arith.constant 0 : i32
        %dma_wait3A_30 = tpu.memref_slice %arg4[%add3A, %scan3A_15, %dma_wait3A_29] : memref<32x79x128xi32, #tpu.memory_space<hbm>> -> memref<1x1x128xi32, #tpu.memory_space<hbm>>
        %dma_wait3A_31 = tpu.memref_squeeze %dma_wait3A_30 : memref<1x1x128xi32, #tpu.memory_space<hbm>> -> memref<128xi32, #tpu.memory_space<hbm>>
        tpu.wait_dma2 semaphore(%run_scoped3A : memref<!tpu.dma_semaphore, #tpu.memory_space<semaphore_mem>>) src(%dma_wait3A_31 : memref<128xi32, #tpu.memory_space<hbm>>) dst(%arg7 : memref<128xi32, #tpu.memory_space<vmem>>)
        tpu.yield
      }) : () -> ()
      "tpu.region"() ({
        %run_scoped3A = tpu.sem_alloc : memref<!tpu.dma_semaphore, #tpu.memory_space<semaphore_mem>>
        %dma_start3A_20 = arith.constant 0 : i32
        %dma_start3A_21 = tpu.memref_slice %arg5[%add3A, %scan3A_15, %dma_start3A_20] : memref<32x79x128xi32, #tpu.memory_space<hbm>> -> memref<1x1x128xi32, #tpu.memory_space<hbm>>
        %dma_start3A_22 = tpu.memref_squeeze %dma_start3A_21 : memref<1x1x128xi32, #tpu.memory_space<hbm>> -> memref<128xi32, #tpu.memory_space<hbm>>
        %dma_start3A_23 = arith.constant 0 : i32
        %dma_start3A_24 = tpu.memref_slice %arg5[%add3A, %scan3A_15, %dma_start3A_23] : memref<32x79x128xi32, #tpu.memory_space<hbm>> -> memref<1x1x128xi32, #tpu.memory_space<hbm>>
        %dma_start3A_25 = tpu.memref_squeeze %dma_start3A_24 : memref<1x1x128xi32, #tpu.memory_space<hbm>> -> memref<128xi32, #tpu.memory_space<hbm>>
        tpu.enqueue_dma source(%dma_start3A_25 : memref<128xi32, #tpu.memory_space<hbm>>) target(%arg8 : memref<128xi32, #tpu.memory_space<vmem>>) target_semaphore(%run_scoped3A : memref<!tpu.dma_semaphore, #tpu.memory_space<semaphore_mem>>)
        %dma_wait3A_26 = arith.constant 0 : i32
        %dma_wait3A_27 = tpu.memref_slice %arg5[%add3A, %scan3A_15, %dma_wait3A_26] : memref<32x79x128xi32, #tpu.memory_space<hbm>> -> memref<1x1x128xi32, #tpu.memory_space<hbm>>
        %dma_wait3A_28 = tpu.memref_squeeze %dma_wait3A_27 : memref<1x1x128xi32, #tpu.memory_space<hbm>> -> memref<128xi32, #tpu.memory_space<hbm>>
        %dma_wait3A_29 = arith.constant 0 : i32
        %dma_wait3A_30 = tpu.memref_slice %arg5[%add3A, %scan3A_15, %dma_wait3A_29] : memref<32x79x128xi32, #tpu.memory_space<hbm>> -> memref<1x1x128xi32, #tpu.memory_space<hbm>>
        %dma_wait3A_31 = tpu.memref_squeeze %dma_wait3A_30 : memref<1x1x128xi32, #tpu.memory_space<hbm>> -> memref<128xi32, #tpu.memory_space<hbm>>
        tpu.wait_dma2 semaphore(%run_scoped3A : memref<!tpu.dma_semaphore, #tpu.memory_space<semaphore_mem>>) src(%dma_wait3A_31 : memref<128xi32, #tpu.memory_space<hbm>>) dst(%arg8 : memref<128xi32, #tpu.memory_space<vmem>>)
        tpu.yield
      }) : () -> ()
      %dma_start3A = arith.constant 0 : i32
      %dma_start3A_16 = arith.constant 0 : i32
      %dma_start3A_17 = tpu.memref_slice %arg2[%dma_start3A, %dma_start3A_16] : memref<10000x128xf32, #tpu.memory_space<hbm>> -> memref<10000x128xf32, #tpu.memory_space<hbm>>
      tpu.enqueue_indirect_dma source(%dma_start3A_17 : memref<10000x128xf32, #tpu.memory_space<hbm>>) target(%arg9 : memref<128x128xf32, #tpu.memory_space<vmem>>) offsets(%arg7 : memref<128xi32, #tpu.memory_space<vmem>>) semaphore(%arg11 : memref<!tpu.dma_semaphore, #tpu.memory_space<semaphore_mem>>)
      %dma_wait3A = arith.constant 0 : i32
      %dma_wait3A_18 = arith.constant 0 : i32
      %dma_wait3A_19 = tpu.memref_slice %arg2[%dma_wait3A, %dma_wait3A_18] : memref<10000x128xf32, #tpu.memory_space<hbm>> -> memref<10000x128xf32, #tpu.memory_space<hbm>>
      tpu.wait_indirect_dma semaphore(%arg11 : memref<!tpu.dma_semaphore, #tpu.memory_space<semaphore_mem>>) src(%dma_wait3A_19 : memref<10000x128xf32, #tpu.memory_space<hbm>>) dst(%arg9 : memref<128x128xf32, #tpu.memory_space<vmem>>)
      "tpu.region"() ({
        %run_scoped3A = tpu.sem_alloc : memref<!tpu.dma_semaphore, #tpu.memory_space<semaphore_mem>>
        %dma_start3A_20 = arith.constant 0 : i32
        %dma_start3A_21 = arith.constant 0 : i32
        %dma_start3A_22 = tpu.memref_slice %arg10[%dma_start3A_20, %dma_start3A_21] : memref<10112x128xf32, #tpu.memory_space<vmem_shared>> -> memref<10112x128xf32, #tpu.memory_space<vmem_shared>>
        tpu.enqueue_indirect_dma source(%arg9 : memref<128x128xf32, #tpu.memory_space<vmem>>) target(%dma_start3A_22 : memref<10112x128xf32, #tpu.memory_space<vmem_shared>>) offsets(%arg8 : memref<128xi32, #tpu.memory_space<vmem>>) semaphore(%run_scoped3A : memref<!tpu.dma_semaphore, #tpu.memory_space<semaphore_mem>>) {add = true}
        %dma_wait3A_23 = arith.constant 0 : i32
        %dma_wait3A_24 = arith.constant 0 : i32
        %dma_wait3A_25 = tpu.memref_slice %arg10[%dma_wait3A_23, %dma_wait3A_24] : memref<10112x128xf32, #tpu.memory_space<vmem_shared>> -> memref<10112x128xf32, #tpu.memory_space<vmem_shared>>
        tpu.wait_indirect_dma semaphore(%run_scoped3A : memref<!tpu.dma_semaphore, #tpu.memory_space<semaphore_mem>>) src(%arg9 : memref<128x128xf32, #tpu.memory_space<vmem>>) dst(%dma_wait3A_25 : memref<10112x128xf32, #tpu.memory_space<vmem_shared>>)
        tpu.yield
      }) : () -> ()
    }
    %scan3A_9 = arith.constant 79 : i32
    %barrier3A_10 = arith.constant 0 : index
    tpu.barrier barrier_id(%barrier3A_10)
    %mul3A_11 = arith.constant 632 : i32
    %mul3A_12 = arith.muli %arg1, %mul3A_11 : i32
    %mul3A_13 = arith.constant 632 : i32
    %mul3A_14 = arith.muli %arg1, %mul3A_13 : i32
    "tpu.region"() ({
      %run_scoped3A = tpu.sem_alloc : memref<!tpu.dma_semaphore, #tpu.memory_space<semaphore_mem>>
      %dma_start3A = arith.constant 0 : i32
      %dma_start3A_15 = tpu.memref_slice %arg6[%arg0, %mul3A_14, %dma_start3A] : memref<2x10112x128xf32, #tpu.memory_space<hbm>> -> memref<1x632x128xf32, #tpu.memory_space<hbm>>
      %dma_start3A_16 = tpu.memref_squeeze %dma_start3A_15 : memref<1x632x128xf32, #tpu.memory_space<hbm>> -> memref<632x128xf32, #tpu.memory_space<hbm>>
      %dma_start3A_17 = arith.constant 0 : i32
      %dma_start3A_18 = tpu.memref_slice %arg10[%mul3A_12, %dma_start3A_17] : memref<10112x128xf32, #tpu.memory_space<vmem_shared>> -> memref<632x128xf32, #tpu.memory_space<vmem_shared>>
      tpu.enqueue_dma source(%dma_start3A_18 : memref<632x128xf32, #tpu.memory_space<vmem_shared>>) target(%dma_start3A_16 : memref<632x128xf32, #tpu.memory_space<hbm>>) target_semaphore(%run_scoped3A : memref<!tpu.dma_semaphore, #tpu.memory_space<semaphore_mem>>)
      %dma_wait3A = arith.constant 0 : i32
      %dma_wait3A_19 = tpu.memref_slice %arg6[%arg0, %mul3A_14, %dma_wait3A] : memref<2x10112x128xf32, #tpu.memory_space<hbm>> -> memref<1x632x128xf32, #tpu.memory_space<hbm>>
      %dma_wait3A_20 = tpu.memref_squeeze %dma_wait3A_19 : memref<1x632x128xf32, #tpu.memory_space<hbm>> -> memref<632x128xf32, #tpu.memory_space<hbm>>
      %dma_wait3A_21 = arith.constant 0 : i32
      %dma_wait3A_22 = tpu.memref_slice %arg10[%mul3A_12, %dma_wait3A_21] : memref<10112x128xf32, #tpu.memory_space<vmem_shared>> -> memref<632x128xf32, #tpu.memory_space<vmem_shared>>
      tpu.wait_dma2 semaphore(%run_scoped3A : memref<!tpu.dma_semaphore, #tpu.memory_space<semaphore_mem>>) src(%dma_wait3A_22 : memref<632x128xf32, #tpu.memory_space<vmem_shared>>) dst(%dma_wait3A_20 : memref<632x128xf32, #tpu.memory_space<hbm>>)
      tpu.yield
    }) : () -> ()
    return
  }
}

module attributes {stable_mosaic.version = 14 : i64} {
  func.func @_dense_body(%arg0: memref<10000x128xf32, #tpu.memory_space<vmem>>, %arg1: memref<2x10112x128xf32, #tpu.memory_space<vmem>>, %arg2: memref<128x128xf32, #tpu.memory_space<vmem>>, %arg3: memref<1x128xf32, #tpu.memory_space<vmem>>, %arg4: memref<1x128xf32, #tpu.memory_space<vmem>>, %arg5: memref<1x128xf32, #tpu.memory_space<vmem>>, %arg6: memref<10000x128xf32, #tpu.memory_space<vmem>>) attributes {dimension_semantics = [], scalar_prefetch = 0 : i64, scratch_operands = 0 : i64, tpu.core_type = #tpu.core_type<tc>} {
    %get3A = arith.constant 0 : index
    %get3A_0 = arith.constant 0 : index
    %get3A_1 = vector.load %arg0[%get3A, %get3A_0] : memref<10000x128xf32, #tpu.memory_space<vmem>>, vector<10000x128xf32>
    %get3A_2 = arith.constant 0 : index
    %get3A_3 = arith.constant 0 : index
    %get3A_4 = arith.constant 0 : index
    %get3A_5 = vector.load %arg1[%get3A_2, %get3A_3, %get3A_4] : memref<2x10112x128xf32, #tpu.memory_space<vmem>>, vector<1x10000x128xf32>
    %get3A_6 = vector.shape_cast %get3A_5 : vector<1x10000x128xf32> to vector<10000x128xf32>
    %add3A = arith.addf %get3A_1, %get3A_6 : vector<10000x128xf32>
    %get3A_7 = arith.constant 1 : index
    %get3A_8 = arith.constant 0 : index
    %get3A_9 = arith.constant 0 : index
    %get3A_10 = vector.load %arg1[%get3A_7, %get3A_8, %get3A_9] : memref<2x10112x128xf32, #tpu.memory_space<vmem>>, vector<1x10000x128xf32>
    %get3A_11 = vector.shape_cast %get3A_10 : vector<1x10000x128xf32> to vector<10000x128xf32>
    %add3A_12 = arith.addf %add3A, %get3A_11 : vector<10000x128xf32>
    %get3A_13 = arith.constant 0 : index
    %get3A_14 = arith.constant 0 : index
    %get3A_15 = vector.load %arg2[%get3A_13, %get3A_14] : memref<128x128xf32, #tpu.memory_space<vmem>>, vector<128x128xf32>
    %dot_general3A = arith.constant dense<0.000000e+00> : vector<10000x128xf32>
    %dot_general3A_16 = tpu.matmul %add3A_12, %get3A_15, %dot_general3A {dimension_numbers = #tpu.dot_dimension_numbers<[1], [0], [0], [1], [0, 0, 1, 1], [], []>, transpose_lhs_hint = false} : vector<10000x128xf32>, vector<128x128xf32>, vector<10000x128xf32> -> vector<10000x128xf32>
    %get3A_17 = arith.constant 0 : index
    %get3A_18 = arith.constant 0 : index
    %get3A_19 = vector.load %arg3[%get3A_17, %get3A_18] : memref<1x128xf32, #tpu.memory_space<vmem>>, vector<1x128xf32>
    %add3A_20 = vector.broadcast %get3A_19 : vector<1x128xf32> to vector<10000x128xf32>
    %add3A_21 = arith.addf %dot_general3A_16, %add3A_20 : vector<10000x128xf32>
    %reduce_sum3A = arith.constant dense<0.000000e+00> : vector<128xf32>
    %reduce_sum3A_22 = vector.multi_reduction <add>, %add3A_21, %reduce_sum3A [0] : vector<10000x128xf32> to vector<128xf32>
    %broadcast_in_dim3A = vector.shape_cast %reduce_sum3A_22 : vector<128xf32> to vector<1x128xf32>
    %div3A = arith.constant 1.000000e+04 : f32
    %div3A_23 = vector.broadcast %div3A : f32 to vector<1x128xf32>
    %div3A_24 = arith.divf %broadcast_in_dim3A, %div3A_23 : vector<1x128xf32>
    %sub3A = vector.broadcast %div3A_24 : vector<1x128xf32> to vector<10000x128xf32>
    %sub3A_25 = arith.subf %add3A_21, %sub3A : vector<10000x128xf32>
    %mul3A = arith.mulf %sub3A_25, %sub3A_25 : vector<10000x128xf32>
    %reduce_sum3A_26 = arith.constant dense<0.000000e+00> : vector<128xf32>
    %reduce_sum3A_27 = vector.multi_reduction <add>, %mul3A, %reduce_sum3A_26 [0] : vector<10000x128xf32> to vector<128xf32>
    %broadcast_in_dim3A_28 = vector.shape_cast %reduce_sum3A_27 : vector<128xf32> to vector<1x128xf32>
    %div3A_29 = arith.constant 1.000000e+04 : f32
    %div3A_30 = vector.broadcast %div3A_29 : f32 to vector<1x128xf32>
    %div3A_31 = arith.divf %broadcast_in_dim3A_28, %div3A_30 : vector<1x128xf32>
    %get3A_32 = arith.constant 0 : index
    %get3A_33 = arith.constant 0 : index
    %get3A_34 = vector.load %arg4[%get3A_32, %get3A_33] : memref<1x128xf32, #tpu.memory_space<vmem>>, vector<1x128xf32>
    %mul3A_35 = vector.broadcast %get3A_34 : vector<1x128xf32> to vector<10000x128xf32>
    %mul3A_36 = arith.mulf %mul3A_35, %sub3A_25 : vector<10000x128xf32>
    %add3A_37 = arith.constant 9.99999974E-6 : f32
    %add3A_38 = vector.broadcast %add3A_37 : f32 to vector<1x128xf32>
    %add3A_39 = arith.addf %div3A_31, %add3A_38 : vector<1x128xf32>
    %rsqrt3A = math.rsqrt %add3A_39 : vector<1x128xf32>
    %mul3A_40 = vector.broadcast %rsqrt3A : vector<1x128xf32> to vector<10000x128xf32>
    %mul3A_41 = arith.mulf %mul3A_36, %mul3A_40 : vector<10000x128xf32>
    %get3A_42 = arith.constant 0 : index
    %get3A_43 = arith.constant 0 : index
    %get3A_44 = vector.load %arg5[%get3A_42, %get3A_43] : memref<1x128xf32, #tpu.memory_space<vmem>>, vector<1x128xf32>
    %add3A_45 = vector.broadcast %get3A_44 : vector<1x128xf32> to vector<10000x128xf32>
    %add3A_46 = arith.addf %mul3A_41, %add3A_45 : vector<10000x128xf32>
    %max3A = arith.constant 0.000000e+00 : f32
    %max3A_47 = vector.broadcast %max3A : f32 to vector<10000x128xf32>
    %max3A_48 = arith.maximumf %add3A_46, %max3A_47 : vector<10000x128xf32>
    %swap3A = arith.constant 0 : index
    %swap3A_49 = arith.constant 0 : index
    %swap3A_50 = vector.load %arg6[%swap3A, %swap3A_49] : memref<10000x128xf32, #tpu.memory_space<vmem>>, vector<10000x128xf32>
    tpu.vector_store %arg6[%swap3A, %swap3A_49], %max3A_48 {strides = array<i32>} : memref<10000x128xf32, #tpu.memory_space<vmem>>, vector<10000x128xf32>,
    return
  }
}

module attributes {stable_mosaic.version = 14 : i64} {
  func.func @_dense_body(%arg0: memref<10000x128xf32, #tpu.memory_space<vmem>>, %arg1: memref<2x10112x128xf32, #tpu.memory_space<vmem>>, %arg2: memref<128x128xf32, #tpu.memory_space<vmem>>, %arg3: memref<1x128xf32, #tpu.memory_space<vmem>>, %arg4: memref<1x128xf32, #tpu.memory_space<vmem>>, %arg5: memref<1x128xf32, #tpu.memory_space<vmem>>, %arg6: memref<10000x128xf32, #tpu.memory_space<vmem>>) attributes {dimension_semantics = [], scalar_prefetch = 0 : i64, scratch_operands = 0 : i64, tpu.core_type = #tpu.core_type<tc>} {
    %get3A = arith.constant 0 : index
    %get3A_0 = arith.constant 0 : index
    %get3A_1 = vector.load %arg0[%get3A, %get3A_0] : memref<10000x128xf32, #tpu.memory_space<vmem>>, vector<10000x128xf32>
    %get3A_2 = arith.constant 0 : index
    %get3A_3 = arith.constant 0 : index
    %get3A_4 = arith.constant 0 : index
    %get3A_5 = vector.load %arg1[%get3A_2, %get3A_3, %get3A_4] : memref<2x10112x128xf32, #tpu.memory_space<vmem>>, vector<1x10000x128xf32>
    %get3A_6 = vector.shape_cast %get3A_5 : vector<1x10000x128xf32> to vector<10000x128xf32>
    %add3A = arith.addf %get3A_1, %get3A_6 : vector<10000x128xf32>
    %get3A_7 = arith.constant 1 : index
    %get3A_8 = arith.constant 0 : index
    %get3A_9 = arith.constant 0 : index
    %get3A_10 = vector.load %arg1[%get3A_7, %get3A_8, %get3A_9] : memref<2x10112x128xf32, #tpu.memory_space<vmem>>, vector<1x10000x128xf32>
    %get3A_11 = vector.shape_cast %get3A_10 : vector<1x10000x128xf32> to vector<10000x128xf32>
    %add3A_12 = arith.addf %add3A, %get3A_11 : vector<10000x128xf32>
    %get3A_13 = arith.constant 0 : index
    %get3A_14 = arith.constant 0 : index
    %get3A_15 = vector.load %arg2[%get3A_13, %get3A_14] : memref<128x128xf32, #tpu.memory_space<vmem>>, vector<128x128xf32>
    %dot_general3A = arith.constant dense<0.000000e+00> : vector<10000x128xf32>
    %dot_general3A_16 = tpu.matmul %add3A_12, %get3A_15, %dot_general3A {dimension_numbers = #tpu.dot_dimension_numbers<[1], [0], [0], [1], [0, 0, 1, 1], [], []>, transpose_lhs_hint = false} : vector<10000x128xf32>, vector<128x128xf32>, vector<10000x128xf32> -> vector<10000x128xf32>
    %get3A_17 = arith.constant 0 : index
    %get3A_18 = arith.constant 0 : index
    %get3A_19 = vector.load %arg3[%get3A_17, %get3A_18] : memref<1x128xf32, #tpu.memory_space<vmem>>, vector<1x128xf32>
    %add3A_20 = vector.broadcast %get3A_19 : vector<1x128xf32> to vector<10000x128xf32>
    %add3A_21 = arith.addf %dot_general3A_16, %add3A_20 : vector<10000x128xf32>
    %reduce_sum3A = arith.constant dense<0.000000e+00> : vector<128xf32>
    %reduce_sum3A_22 = vector.multi_reduction <add>, %add3A_21, %reduce_sum3A [0] : vector<10000x128xf32> to vector<128xf32>
    %broadcast_in_dim3A = vector.shape_cast %reduce_sum3A_22 : vector<128xf32> to vector<1x128xf32>
    %div3A = arith.constant 1.000000e+04 : f32
    %div3A_23 = vector.broadcast %div3A : f32 to vector<1x128xf32>
    %div3A_24 = arith.divf %broadcast_in_dim3A, %div3A_23 : vector<1x128xf32>
    %sub3A = vector.broadcast %div3A_24 : vector<1x128xf32> to vector<10000x128xf32>
    %sub3A_25 = arith.subf %add3A_21, %sub3A : vector<10000x128xf32>
    %mul3A = arith.mulf %sub3A_25, %sub3A_25 : vector<10000x128xf32>
    %reduce_sum3A_26 = arith.constant dense<0.000000e+00> : vector<128xf32>
    %reduce_sum3A_27 = vector.multi_reduction <add>, %mul3A, %reduce_sum3A_26 [0] : vector<10000x128xf32> to vector<128xf32>
    %broadcast_in_dim3A_28 = vector.shape_cast %reduce_sum3A_27 : vector<128xf32> to vector<1x128xf32>
    %div3A_29 = arith.constant 1.000000e+04 : f32
    %div3A_30 = vector.broadcast %div3A_29 : f32 to vector<1x128xf32>
    %div3A_31 = arith.divf %broadcast_in_dim3A_28, %div3A_30 : vector<1x128xf32>
    %get3A_32 = arith.constant 0 : index
    %get3A_33 = arith.constant 0 : index
    %get3A_34 = vector.load %arg4[%get3A_32, %get3A_33] : memref<1x128xf32, #tpu.memory_space<vmem>>, vector<1x128xf32>
    %mul3A_35 = vector.broadcast %get3A_34 : vector<1x128xf32> to vector<10000x128xf32>
    %mul3A_36 = arith.mulf %mul3A_35, %sub3A_25 : vector<10000x128xf32>
    %add3A_37 = arith.constant 9.99999974E-6 : f32
    %add3A_38 = vector.broadcast %add3A_37 : f32 to vector<1x128xf32>
    %add3A_39 = arith.addf %div3A_31, %add3A_38 : vector<1x128xf32>
    %rsqrt3A = math.rsqrt %add3A_39 : vector<1x128xf32>
    %mul3A_40 = vector.broadcast %rsqrt3A : vector<1x128xf32> to vector<10000x128xf32>
    %mul3A_41 = arith.mulf %mul3A_36, %mul3A_40 : vector<10000x128xf32>
    %get3A_42 = arith.constant 0 : index
    %get3A_43 = arith.constant 0 : index
    %get3A_44 = vector.load %arg5[%get3A_42, %get3A_43] : memref<1x128xf32, #tpu.memory_space<vmem>>, vector<1x128xf32>
    %add3A_45 = vector.broadcast %get3A_44 : vector<1x128xf32> to vector<10000x128xf32>
    %add3A_46 = arith.addf %mul3A_41, %add3A_45 : vector<10000x128xf32>
    %max3A = arith.constant 0.000000e+00 : f32
    %max3A_47 = vector.broadcast %max3A : f32 to vector<10000x128xf32>
    %max3A_48 = arith.maximumf %add3A_46, %max3A_47 : vector<10000x128xf32>
    %swap3A = arith.constant 0 : index
    %swap3A_49 = arith.constant 0 : index
    %swap3A_50 = vector.load %arg6[%swap3A, %swap3A_49] : memref<10000x128xf32, #tpu.memory_space<vmem>>, vector<10000x128xf32>
    tpu.vector_store %arg6[%swap3A, %swap3A_49], %max3A_48 {strides = array<i32>} : memref<10000x128xf32, #tpu.memory_space<vmem>>, vector<10000x128xf32>,
    return
  }
}

</mosaic_0001>

<sc_bundles>
// kernel: kernel.6.cloned.1.call-start
scs
__scs_entry_jumppad:
0x0: {  	(pc) =	sbr.rel $0x88, $3  }
0x1: {  	(tag) =	ssettag $0x0;
	lr =	simm.s32 $0x1  }
0x2: {  	[smem:$0x3F97] =	sst lr;
	_ =	strace $0xD0000000  }
0x3: {  	_ = 	snop  }
0x4: {  	_ = 	snop  }
0x5: {  	_ = 	snop  }
0x6: {  	_ = 	snop  }
0x7: {  	_ = 	snop  }
__scs_overlays_trampoline_lowered:
0x8: {  	[smem:$0x3FA6] =	sst s0  }
0x9: {  	[smem:$0x3FA7] =	sst s1  }
0xa: {  	[smem:$0x3FA8] =	sst s2  }
0xb: {  	[smem:$0x3FA9] =	sst s3  }
0xc: {  	[smem:$0x3FAA] =	sst s4  }
0xd: {  	[smem:$0x3FAB] =	sst s5  }
0xe: {  	[smem:$0x3FAC] =	sst s6  }
0xf: {  	[smem:$0x3FAD] =	sst s7  }
0x10: {  	[smem:$0x3FAE] =	sst s8  }
0x11: {  	[smem:$0x3FAF] =	sst s9;
	s0 =	simm.s32 @!p0 $0x0  }
0x12: {  	s1 =	sld [smem:$0x3F95];
	s0 =	simm.s32 @p0 $0x1  }
0x13: {  	[smem:$0x3FB0] =	sst s0;
	s0 =	simm.s32 @!p1 $0x0  }
0x14: {  	s2 =	sld [smem:$0x3F94];
	s0 =	simm.s32 @p1 $0x1  }
0x15: {  	[smem:$0x3FB1] =	sst s0;
	s0 =	simm.s32 @!p2 $0x0  }
0x16: {  	s3 =	sld [smem:$0x3FDB];
	s0 =	simm.s32 @p2 $0x1  }
0x17: {  	s4 =	simm.s32 $0x1BF5;
	[smem:$0x3FB3] =	sst s0  }
0x18: {  	s0 =	sld [smem:$0x3F96];
	_ =	swait.ge [sflag:s4], $0x0  }
0x19: {  	s7 =	sld [smem:$0x3F97]  }
0x1a: {  	s8 =	sadd.s32 $0xFFFFE003, lr  }
0x1b: {  	s9 =	sadd.s32 $0xFFFFFEF7, lr;
	s5 =	simm.s32 $0xFFFFFFFF;
	p2 =	slt.u32 s8, $0xFFFFF086  }
0x1c: {  	p1 =	slt.u32 s9, $0xF7A;
	s5 =	simm.s32 @!p2 $0x0  }
0x1d: {  	s5 =	simm.s32 @p1 $0x1;
	p0 =	seq.s32 s7, s2  }
0x1e: {  	s7 =	smul.u32 @!p0 $0xF7A, s2;
	p2 =	seq.s32 @!p0 s5, $0x0  }
0x1f: {  	s9 =	smul.u32 $0xF7A, s1;
	s8 =	simm.s32 @!p0 $0x1BF5;
	p2 =	por !p2, p0  }
0x20: {  	[sflag:s8] =	ssyncset.s32 @!p0 $0xFFFFF086;
	s6 =	sadd.s32 @!p0 s3, s7;
	s7 =	simm.s32 @!p0 $0x108  }
0x21: {  	s3 =	sadd.s32 s3, s9;
	s6 =	sadd.s32 @!p0 $0x88, s6;
	s7 =	simm.s32 @p2 $0x1082  }
0x22: {  	[simem:s7], [sflag:s8] =	dma.local @!p0 [hbm:s6], $0xF7A  }
0x23: {  	s9 =	sor.u32 $0xD0000000, s2;
	s6 =	simm.s32 $0x108;
	_ =	swait.ge @!p0 [sflag:s8], $0x0  }
0x24: {  	s3 =	sadd.s32 $0x88, s3;
	s6 =	simm.s32 @!p1 $0x1082;
	[sflag:s4] =	ssyncset.s32 $0xFFFFF086  }
0x25: {  	[simem:s6], [sflag:s4] =	dma.local [hbm:s3], $0xF7A  }
0x26: {  	[smem:$0x3F97] =	sst s1;
	(tag) =	ssettag s2;
	_ =	strace s9  }
0x27: {  	s1 =	sld [smem:$0x3FA7]  }
0x28: {  	s2 =	sld [smem:$0x3FA8]  }
0x29: {  	s4 =	sld [smem:$0x3FAA]  }
0x2a: {  	p0 =	seq.s32 s5, $0x0;
	s5 =	sld [smem:$0x3FAB]  }
0x2b: {  	s6 =	sld [smem:$0x3FAC]  }
0x2c: {  	s7 =	sld [smem:$0x3FAD]  }
0x2d: {  	s3 =	simm.s32 $0x108;
	s8 =	sld [smem:$0x3FAE]  }
0x2e: {  	s3 =	simm.s32 @!p0 $0x1082;
	s9 =	sld [smem:$0x3FAF]  }
0x2f: {  	lr =	sadd.s32 s0, s3;
	s0 =	sld [smem:$0x3FA6]  }
0x30: {  	s3 =	sld [smem:$0x3FA9]  }
0x31: {  	[smem:$0x3FB2] =	sst s10  }
0x32: {  	s10 =	sld [smem:$0x3FB0];
	_ =	sdelay $0x3  }
0x33: {  	p0 =	seq.s32 s10, $0x1;
	s10 =	sld [smem:$0x3FB2];
	_ =	sdelay $0x3  }
0x34: {  	[smem:$0x3FB2] =	sst s10  }
0x35: {  	s10 =	sld [smem:$0x3FB1];
	_ =	sdelay $0x3  }
0x36: {  	p1 =	seq.s32 s10, $0x1;
	s10 =	sld [smem:$0x3FB2];
	_ =	sdelay $0x3  }
0x37: {  	[smem:$0x3FB2] =	sst s10  }
0x38: {  	s10 =	sld [smem:$0x3FB3]  }
0x39: {  	_ = 	snop;
	(pc) =	sbr.ind lr, $3  }
0x3a: {  	_ = 	snop  }
0x3b: {  	_ = 	snop  }
0x3c: {  	p2 =	seq.s32 s10, $0x1;
	s10 =	sld [smem:$0x3FB2]  }
0x3d: {  	_ =	shalt  }
0x3e: {  	_ =	shalt  }
0x3f: {  	_ =	shalt  }
0x40: {  	_ =	shalt  }
0x41: {  	_ =	shalt  }
0x42: {  	_ =	shalt  }
0x43: {  	_ =	shalt  }
0x44: {  	_ =	shalt  }
0x45: {  	_ =	shalt  }
0x46: {  	_ =	shalt  }
0x47: {  	_ =	shalt  }
0x48: {  	_ =	shalt  }
0x49: {  	_ =	shalt  }
0x4a: {  	_ =	shalt  }
0x4b: {  	_ =	shalt  }
0x4c: {  	_ =	shalt  }
0x4d: {  	_ =	shalt  }
0x4e: {  	_ =	shalt  }
0x4f: {  	_ =	shalt  }
0x50: {  	_ =	shalt  }
0x51: {  	_ =	shalt  }
0x52: {  	_ =	shalt  }
0x53: {  	_ =	shalt  }
0x54: {  	_ =	shalt  }
0x55: {  	_ =	shalt  }
0x56: {  	_ =	shalt  }
0x57: {  	_ =	shalt  }
0x58: {  	_ =	shalt  }
0x59: {  	_ =	shalt  }
0x5a: {  	_ =	shalt  }
0x5b: {  	_ =	shalt  }
0x5c: {  	_ =	shalt  }
0x5d: {  	_ =	shalt  }
0x5e: {  	_ =	shalt  }
0x5f: {  	_ =	shalt  }
0x60: {  	_ =	shalt  }
0x61: {  	_ =	shalt  }
0x62: {  	_ =	shalt  }
0x63: {  	_ =	shalt  }
0x64: {  	_ =	shalt  }
0x65: {  	_ =	shalt  }
0x66: {  	_ =	shalt  }
0x67: {  	_ =	shalt  }
0x68: {  	_ =	shalt  }
0x69: {  	_ =	shalt  }
0x6a: {  	_ =	shalt  }
0x6b: {  	_ =	shalt  }
0x6c: {  	_ =	shalt  }
0x6d: {  	_ =	shalt  }
0x6e: {  	_ =	shalt  }
0x6f: {  	_ =	shalt  }
0x70: {  	_ =	shalt  }
0x71: {  	_ =	shalt  }
0x72: {  	_ =	shalt  }
0x73: {  	_ =	shalt  }
0x74: {  	_ =	shalt  }
0x75: {  	_ =	shalt  }
0x76: {  	_ =	shalt  }
0x77: {  	_ =	shalt  }
0x78: {  	_ =	shalt  }
0x79: {  	_ =	shalt  }
0x7a: {  	_ =	shalt  }
0x7b: {  	_ =	shalt  }
0x7c: {  	_ =	shalt  }
0x7d: {  	_ =	shalt  }
0x7e: {  	_ =	shalt  }
0x7f: {  	_ =	shalt  }
0x80: {  	_ =	shalt  }
0x81: {  	_ =	shalt  }
0x82: {  	_ =	shalt  }
0x83: {  	_ =	shalt  }
0x84: {  	_ =	shalt  }
0x85: {  	_ =	shalt  }
0x86: {  	_ =	shalt  }
0x87: {  	_ =	shalt  }
.Lfunc_end0:
.L_simem_size_0:
called_computation_lowered:
.L_overlay_start_0:
0x88: {  	s2 =	sld [smem:$0x3FD9]  }
0x89: {  	s3 =	sld [smem:$0x3FFE];
	_ =	sdelay $0x1  }
0x8a: {  	s1 =	srdreg.scid  }
0x8b: {  	s0 =	sand.u32 $0x1, s1  }
0x8c: {  	s17 =	sshll.u32 s0, $0xA;
	s2 =	sadd.s32 s3, s2  }
0x8d: {  	s2 =	sadd.s32 s2, s17  }
0x8e: {  	[smem:$0x3FBE] =	sst s2  }
0x8f: {  	_ = 	snop  }
0x90: {  	s2 =	sld [smem:$0x3FC8];
	(tm) =	ssettm $0x1  }
0x91: {  	s18 =	sld [smem:$0x3FFB];
	_ =	sdelay $0x3  }
0x92: {  	_ =	strace s18  }
0x93: {  	s3 =	sld [smem:$0x3FFC];
	_ =	sdelay $0x3  }
0x94: {  	_ =	strace s3  }
0x95: {  	s3 =	sld [smem:$0x3FFD];
	_ =	sdelay $0x3  }
0x96: {  	_ =	strace s3  }
0x97: {  	_ =	strace $0x8FFFFFFF  }
0x98: {  	s19 =	sld [smem:$0x3FDB];
	_ =	sdelay $0x1  }
0x99: {  	s4 =	simm.s32 $_scs_section_size  }
0x9a: {  	s5 =	simm.s32 $_size__tile_overlayer_lowered;
	s6 =	simm.s32 $_tile_overlayer_lowered  }
0x9b: {  	s22 =	simm.s32 $0x1BFF;
	s21 =	sshll.u32 s6, $0x1;
	s3 =	sadd.s32 s4, s19  }
0x9c: {  	s7 =	simm.s32 $0x0;
	s20 =	sshll.u32 s5, $0x1;
	s5 =	sadd.s32 s21, s3  }
0x9d: {  	[timem:s7], [sflag:s22] =	dma.local [hbm:s5], s20  }
0x9e: {  	_ =	swait.ge [sflag:s22], s20  }
0x9f: {  	s4 =	ssub.s32 $0x0, s20;
	[sflag:s22] =	ssyncset.done $0x0  }
0xa0: {  	[sflag:s22] =	ssyncadd.s32 s4;
	_ =	sdelay $0x1  }
0xa1: {  	s23 =	simm.s32 $0x1B8B  }
0xa2: {  	_ =	swait.ge [sflag:s23], $0x1  }
0xa3: {  	[sflag:s23] =	ssyncset.done $0x0  }
0xa4: {  	s25 =	simm.s32 $0x1B8E;
	s24 =	sld [smem:$0x3FFE];
	[sflag:s23] =	ssyncadd.s32 $0xFFFFFFFF  }
0xa5: {  	s26 =	simm.s32 $execute0_lowered;
	[smem:$0x3FD2] =	sst s25  }
0xa6: {  	s5 =	sshll.u32 s26, $0x1;
	_ =	strace $0x80000046;
	[dreg:$0x1] =	wrdreg $0xFFFFFFFF  }
0xa7: {  	s28 =	simm.s32 $_size_execute0_lowered;
	s3 =	sadd.s32 s3, s5;
	[dreg:$0x0] =	wrdreg $0x0  }
0xa8: {  	s5 =	sshll.u32 s28, $0x1;
	[dreg:$0x2] =	wrdreg s3  }
0xa9: {  	[dreg:$0x3] =	wrdreg s5  }
0xaa: {  	[dreg:$0x4] =	wrdreg $0xC0  }
0xab: {  	_ =	task [dreg:s7], $0x5FFFF  }
0xac: {  	[dreg:$0x1] =	wrdreg $0xFFFFFFFF  }
0xad: {  	[dreg:$0x0] =	wrdreg $0x60  }
0xae: {  	[dreg:$0x2] =	wrdreg s2  }
0xaf: {  	[dreg:$0x3] =	wrdreg s24  }
0xb0: {  	[dreg:$0x4] =	wrdreg $0x41000  }
0xb1: {  	[dreg:$0x5] =	wrdreg $0x9  }
0xb2: {  	_ =	task.clear_ibuf [dreg:s7], $0x6FFFF;
	_ =	strace $0x90000046  }
0xb3: {  	s29 =	simm.s32 $0x9;
	_ =	strace $0x80000048  }
0xb4: {  	_ =	swait.ge [sflag:s29], $0x1  }
0xb5: {  	[sflag:s29] =	ssyncadd.s32 $0xFFFFFFFF  }
0xb6: {  	_ =	strace $0x90000048  }
0xb7: {  	_ =	sfence  }
0xb8: {  	s30 =	sld [smem:$0x0];
	_ =	sdelay $0x2  }
0xb9: {  	s31 =	sshll.u32 s1, $0xD;
	s1 =	sshrl.u32 s1, $0x2  }
0xba: {  	s3 =	sand.u32 $0x4000, s31;
	s1 =	sadd.s32 s1, s30  }
0xbb: {  	s0 =	sor.u32 s3, s0;
	s1 =	sshll.u32 s1, $0x11  }
0xbc: {  	s0 =	sor.u32 s1, s0  }
0xbd: {  	s0 =	sadd.s32 $0x8F2B, s0  }
0xbe: {  	[sflag:s0] =	ssyncadd.remote.s32 $0x1  }
0xbf: {  	_ =	sfence.sel $0xFFFF  }
0xc0: {  	[dreg:$0x0] =	wrdreg $0xFFFFFFFF;
	(pc) =	sbr.abs _section_cstart, $3  }
0xc1: {  	[dreg:$0x1] =	wrdreg $0xFFFFFFFF  }
0xc2: {  	_ =	task.clear_ibuf [dreg:s7], $0x2FFFF;
	_ =	strace $0x9FFFFFFF  }
0xc3: {  	(tm) =	ssettm $0x7FFFFFFF  }
tec
execute0_lowered:
.L_overlay_start_1:
0x0: {  	(tag) =	ssettag $0x1  }
0x1: {  	s2 =	rddreg [dreg:$0x0]  }
0x2: {  	s7 =	rddreg [dreg:$0x1]  }
0x3: {  	s3 =	rddreg [dreg:$0x2];
	s0 =	stileid.u32  }
0x4: {  	s5 =	srdreg.scid;
	s1 =	rddreg [dreg:$0x3]  }
0x5: {  	s4 =	simm.s32 $0x0;
	s15 =	simm.s32 $0x100;
	s16 =	simm.s32 $0x1  }
0x6: {  	s17 =	simm.s32 $0x0;
	s8 =	smul.u32 $0x13C00, s0;
	s9 =	sand.u32 $0x1, s5  }
0x7: {  	[smem:$0x7FF] =	sst s4;
	s5 =	sadd.s32 $0xC000, s7;
	s6 =	sadd.s32 $0x2000, s7  }
0x8: {  	s13 =	smul.u32 $0x4F000, s0;
	s29 =	sshll.u32 s0, $0x1;
	s31 =	sshll.u32 s0, $0x6  }
0x9: {  	s10 =	smul.u32 $0x13C000, s9;
	_ =	strace $0x80000047;
	s28 =	ssub.s32 $0x2, s9  }
0xa: {  	s9 =	sor.u32 s9, s29;
	s26 =	sshrl.u32 s8, $0x3;
	s12 =	sshrl.u32 s28, $0x1  }
0xb: {  	s30 =	sshrl.u32 s13, $0x2;
	s9 =	smul.u32 $0x2800, s9;
	s8 =	sadd.s32 s8, s10  }
0xc: {  	s11 =	sadd.s32 s26, s7;
	s12 =	ssub.s32 s28, s12;
	s8 =	sshrl.u32 s8, $0x3  }
0xd: {  	s13 =	sadd.s32 s30, s3;
	s14 =	sadd.s32 s8, s7;
	s7 =	sadd.s32 $0x16000, s11  }
0xe: {  	s8 =	sor.u32 $0x1C02, s31;
	s11 =	smax.u32 s12, $0x1;
	s12 =	sshrl.u32 s13, $0x3  }
0xf: {  	s13 =	simm.s32 $0x2;
	s10 =	sadd.s32 $0x3D800, s14;
	s14 =	simm.s32 $0x80  }
.LBB2_1:
0x10: {  	[spmem:s12], [sflag:s8] =	dma.local [hbm:s7], $0x2780  }
0x11: {  	s18 =	sand.u32 $0x3C00, s4  }
0x12: {  	s19 =	sand.u32 $0x380, s4;
	_ =	swait.ge [sflag:s13], $0x2780;
	s18 =	sadd.s32 s9, s18  }
0x13: {  	[sflag:s13] =	ssyncset.done $0x0;
	s18 =	sor.u32 s19, s18  }
0x14: {  	[sflag:s13] =	ssyncadd.s32 $0xFFFFD880;
	s18 =	sshrl.u32 s18, $0x3  }
0x15: {  	[bflag:$0x0] =	sbarrier.arrive $0xFFFF;
	s29 =	sadd.s32 s5, s18  }
0x16: {  	[tilespmem:s4], [sflag:$0x2] =	stream.linear.gather [hbm4b:s29+s4], $0x80, $0x38;
	[tilespmem:$0x17D00] =	vst v63  }
0x17: {  	_ =	swait.ge [sflag:s13], $0x80  }
0x18: {  	[sflag:s13] =	ssyncset.done $0x0  }
0x19: {  	s18 =	sadd.s32 s6, s18;
	[sflag:s13] =	ssyncadd.s32 $0xFFFFFF80  }
0x1a: {  	[tilespmem:s14], [sflag:$0x2] =	stream.linear.gather [hbm4b:s18+s4], $0x80, $0x38;
	[tilespmem:$0x17D00] =	vst v63  }
0x1b: {  	_ =	swait.ge [sflag:s13], $0x80  }
0x1c: {  	[sflag:s13] =	ssyncset.done $0x0  }
0x1d: {  	[sflag:s13] =	ssyncadd.s32 $0xFFFFFF80  }
0x1e: {  	[tilespmem:s15], [sflag:$0x1] =	stream.indirect.gather [hbm4b:s2+s14], $0x80, s4, s14, $0xb8;
	[tilespmem:$0x17D00] =	vst v63  }
0x1f: {  	_ =	swait.ge [sflag:s16], $0x4000  }
0x20: {  	s30 =	simm.s32 $0x80;
	[sflag:s16] =	ssyncset.done $0x0  }
0x21: {  	s31 =	sand.u32 $0x3C00, s30;
	[sflag:s16] =	ssyncadd.s32 $0xFFFFC000  }
0x22: {  	[spmem:s3] =	stream.indirect.scatter.add.f32 [tilespmem:s15], [sflag:$0x2], $0x80, s14, s14, $0xb8;
	[tilespmem:$0x17D00] =	vst v63  }
0x23: {  	s20 =	sand.u32 $0x380, s30;
	s19 =	sadd.s32 s9, s31;
	_ =	swait.ge [sflag:s13], $0x4000  }
0x24: {  	s19 =	sor.u32 s20, s19;
	s18 =	simm.s32 $0x100;
	[sflag:s13] =	ssyncset.done $0x0  }
.LBB2_2:
0x25: {  	s19 =	sshrl.u32 s19, $0x3  }
0x26: {  	[sflag:s13] =	ssyncadd.s32 $0xFFFFC000;
	s20 =	smov.u32 s18;
	s21 =	sadd.s32 $0x80, s18  }
0x27: {  	p0 =	sne.s32 s18, $0x2700;
	s18 =	sadd.s32 s5, s19  }
0x28: {  	[tilespmem:s4], [sflag:$0x2] =	stream.linear.gather [hbm4b:s18+s4], $0x80, $0x38;
	[tilespmem:$0x17D00] =	vst v63  }
0x29: {  	_ =	swait.ge [sflag:s13], $0x80  }
0x2a: {  	[sflag:s13] =	ssyncset.done $0x0  }
0x2b: {  	s18 =	sadd.s32 s6, s19;
	[sflag:s13] =	ssyncadd.s32 $0xFFFFFF80  }
0x2c: {  	[tilespmem:s14], [sflag:$0x2] =	stream.linear.gather [hbm4b:s18+s4], $0x80, $0x38;
	[tilespmem:$0x17D00] =	vst v63  }
0x2d: {  	_ =	swait.ge [sflag:s13], $0x80  }
0x2e: {  	[sflag:s13] =	ssyncset.done $0x0  }
0x2f: {  	[sflag:s13] =	ssyncadd.s32 $0xFFFFFF80  }
0x30: {  	[tilespmem:s15], [sflag:$0x1] =	stream.indirect.gather [hbm4b:s2+s14], $0x80, s4, s14, $0xb8;
	[tilespmem:$0x17D00] =	vst v63  }
0x31: {  	_ =	swait.ge [sflag:s16], $0x4000  }
.Ltmp0:
0x32: {  	[sflag:s16] =	ssyncset.done $0x0;
	(pc) =	sbr.rel @p0 .LBB2_2-.Ltmp0, $4  }
0x33: {  	s18 =	sand.u32 $0x3C00, s20;
	[sflag:s16] =	ssyncadd.s32 $0xFFFFC000  }
0x34: {  	[spmem:s3] =	stream.indirect.scatter.add.f32 [tilespmem:s15], [sflag:$0x2], $0x80, s14, s14, $0xb8;
	[tilespmem:$0x17D00] =	vst v63  }
0x35: {  	s19 =	sand.u32 $0x380, s20;
	s18 =	sadd.s32 s9, s18;
	_ =	swait.ge [sflag:s13], $0x4000  }
0x36: {  	s19 =	sor.u32 s19, s18;
	s18 =	smov.u32 s21;
	[sflag:s13] =	ssyncset.done $0x0  }
0x37: {  	s18 =	sshrl.u32 s19, $0x3  }
0x38: {  	[sflag:s13] =	ssyncadd.s32 $0xFFFFC000;
	s19 =	sadd.s32 s5, s18  }
0x39: {  	[tilespmem:s4], [sflag:$0x2] =	stream.linear.gather [hbm4b:s19+s4], $0x80, $0x38;
	[tilespmem:$0x17D00] =	vst v63  }
0x3a: {  	_ =	swait.ge [sflag:s13], $0x80  }
0x3b: {  	[sflag:s13] =	ssyncset.done $0x0  }
0x3c: {  	s18 =	sadd.s32 s6, s18;
	[sflag:s13] =	ssyncadd.s32 $0xFFFFFF80  }
0x3d: {  	[tilespmem:s14], [sflag:$0x2] =	stream.linear.gather [hbm4b:s18+s4], $0x80, $0x38;
	[tilespmem:$0x17D00] =	vst v63  }
0x3e: {  	_ =	swait.ge [sflag:s13], $0x80  }
0x3f: {  	[sflag:s13] =	ssyncset.done $0x0  }
0x40: {  	[sflag:s13] =	ssyncadd.s32 $0xFFFFFF80  }
0x41: {  	[tilespmem:s15], [sflag:$0x1] =	stream.indirect.gather [hbm4b:s2+s14], $0x80, s4, s14, $0xb8;
	[tilespmem:$0x17D00] =	vst v63  }
0x42: {  	_ =	swait.ge [sflag:s16], $0x4000  }
0x43: {  	[sflag:s16] =	ssyncset.done $0x0  }
0x44: {  	[sflag:s16] =	ssyncadd.s32 $0xFFFFC000  }
0x45: {  	[spmem:s3] =	stream.indirect.scatter.add.f32 [tilespmem:s15], [sflag:$0x2], $0x80, s14, s14, $0xb8;
	[tilespmem:$0x17D00] =	vst v63  }
0x46: {  	_ =	swait.ge [sflag:s13], $0x4000  }
0x47: {  	s17 =	sadd.s32 $0x1, s17;
	[sflag:s13] =	ssyncset.done $0x0  }
0x48: {  	p0 =	sne.s32 s17, s11;
	[sflag:s13] =	ssyncadd.s32 $0xFFFFC000  }
.Ltmp1:
0x49: {  	[bflag:$0x0] =	sbarrier.arrive $0xFFFF;
	(pc) =	sbr.rel @p0 .LBB2_1-.Ltmp1, $4  }
0x4a: {  	[hbm:s10], [sflag:s8] =	dma.local [spmem:s12], $0x2780  }
0x4b: {  	_ =	swait.ge [sflag:s13], $0x2780  }
0x4c: {  	[sflag:s13] =	ssyncset.done $0x0  }
0x4d: {  	[sflag:s13] =	ssyncadd.s32 $0xFFFFD880  }
0x4e: {  	_ =	sfence.sel $0x180000  }
0x4f: {  	[bflag:$0x0] =	sbarrier.arrive $0xFFFF  }
0x50: {  	p0 =	sne.s32 s0, $0x0;
	_ =	strace $0x90000047  }
0x51: {  	s0 =	sadd.s32 @!p0 $0x100000, s1;
	[bflag:$0x2] =	sbarrier.arrive $0xFFFF  }
0x52: {  	[sflag:s0] =	ssyncadd.tile.s32 @!p0 $0x1;
	_ =	shalt  }
.Lfunc_end2:
_tile_overlayer_lowered:
.L_overlay_start_2:
0x53: {  	(tag) =	ssettag $0x2  }
0x54: {  	s0 =	rddreg [dreg:$0x0];
	s2 =	stileid.u32  }
0x55: {  	s1 =	rddreg [dreg:$0x1];
	p0 =	sne.s32 s2, $0x0  }
0x56: {  	s3 =	rddreg [dreg:$0x2];
	[bflag:$0x3] =	sbarrier.arrive $0xFFFF;
	s2 =	simm.s32 @!p0 $0x1C02  }
0x57: {  	[timem:s3], [sflag:s2] =	dma.local @!p0 [hbm:s0], s1  }
0x58: {  	s0 =	simm.s32 @!p0 $0x2  }
0x59: {  	_ =	swait.ge @!p0 [sflag:s0], s1  }
0x5a: {  	s1 =	ssub.s32 @!p0 $0x0, s1;
	[sflag:s0] =	ssyncset.done @!p0 $0x0  }
0x5b: {  	[sflag:s0] =	ssyncadd.s32 @!p0 s1  }
0x5c: {  	[bflag:$0x3] =	sbarrier.arrive $0xFFFF  }
0x5d: {  	_ =	shalt  }

// kernel: kernel.9.cloned.1.call-start
scs
__scs_entry_jumppad:
0x0: {  	(pc) =	sbr.rel $0x88, $3  }
0x1: {  	(tag) =	ssettag $0x0;
	lr =	simm.s32 $0x1  }
0x2: {  	[smem:$0x3F97] =	sst lr;
	_ =	strace $0xD0000000  }
0x3: {  	_ = 	snop  }
0x4: {  	_ = 	snop  }
0x5: {  	_ = 	snop  }
0x6: {  	_ = 	snop  }
0x7: {  	_ = 	snop  }
__scs_overlays_trampoline_lowered:
0x8: {  	[smem:$0x3FA6] =	sst s0  }
0x9: {  	[smem:$0x3FA7] =	sst s1  }
0xa: {  	[smem:$0x3FA8] =	sst s2  }
0xb: {  	[smem:$0x3FA9] =	sst s3  }
0xc: {  	[smem:$0x3FAA] =	sst s4  }
0xd: {  	[smem:$0x3FAB] =	sst s5  }
0xe: {  	[smem:$0x3FAC] =	sst s6  }
0xf: {  	[smem:$0x3FAD] =	sst s7  }
0x10: {  	[smem:$0x3FAE] =	sst s8  }
0x11: {  	[smem:$0x3FAF] =	sst s9;
	s0 =	simm.s32 @!p0 $0x0  }
0x12: {  	s1 =	sld [smem:$0x3F95];
	s0 =	simm.s32 @p0 $0x1  }
0x13: {  	[smem:$0x3FB0] =	sst s0;
	s0 =	simm.s32 @!p1 $0x0  }
0x14: {  	s2 =	sld [smem:$0x3F94];
	s0 =	simm.s32 @p1 $0x1  }
0x15: {  	[smem:$0x3FB1] =	sst s0;
	s0 =	simm.s32 @!p2 $0x0  }
0x16: {  	s3 =	sld [smem:$0x3FDB];
	s0 =	simm.s32 @p2 $0x1  }
0x17: {  	s4 =	simm.s32 $0x1BF5;
	[smem:$0x3FB3] =	sst s0  }
0x18: {  	s0 =	sld [smem:$0x3F96];
	_ =	swait.ge [sflag:s4], $0x0  }
0x19: {  	s7 =	sld [smem:$0x3F97]  }
0x1a: {  	s8 =	sadd.s32 $0xFFFFE003, lr  }
0x1b: {  	s9 =	sadd.s32 $0xFFFFFEF7, lr;
	s5 =	simm.s32 $0xFFFFFFFF;
	p2 =	slt.u32 s8, $0xFFFFF086  }
0x1c: {  	p1 =	slt.u32 s9, $0xF7A;
	s5 =	simm.s32 @!p2 $0x0  }
0x1d: {  	s5 =	simm.s32 @p1 $0x1;
	p0 =	seq.s32 s7, s2  }
0x1e: {  	s7 =	smul.u32 @!p0 $0xF7A, s2;
	p2 =	seq.s32 @!p0 s5, $0x0  }
0x1f: {  	s9 =	smul.u32 $0xF7A, s1;
	s8 =	simm.s32 @!p0 $0x1BF5;
	p2 =	por !p2, p0  }
0x20: {  	[sflag:s8] =	ssyncset.s32 @!p0 $0xFFFFF086;
	s6 =	sadd.s32 @!p0 s3, s7;
	s7 =	simm.s32 @!p0 $0x108  }
0x21: {  	s3 =	sadd.s32 s3, s9;
	s6 =	sadd.s32 @!p0 $0x88, s6;
	s7 =	simm.s32 @p2 $0x1082  }
0x22: {  	[simem:s7], [sflag:s8] =	dma.local @!p0 [hbm:s6], $0xF7A  }
0x23: {  	s9 =	sor.u32 $0xD0000000, s2;
	s6 =	simm.s32 $0x108;
	_ =	swait.ge @!p0 [sflag:s8], $0x0  }
0x24: {  	s3 =	sadd.s32 $0x88, s3;
	s6 =	simm.s32 @!p1 $0x1082;
	[sflag:s4] =	ssyncset.s32 $0xFFFFF086  }
0x25: {  	[simem:s6], [sflag:s4] =	dma.local [hbm:s3], $0xF7A  }
0x26: {  	[smem:$0x3F97] =	sst s1;
	(tag) =	ssettag s2;
	_ =	strace s9  }
0x27: {  	s1 =	sld [smem:$0x3FA7]  }
0x28: {  	s2 =	sld [smem:$0x3FA8]  }
0x29: {  	s4 =	sld [smem:$0x3FAA]  }
0x2a: {  	p0 =	seq.s32 s5, $0x0;
	s5 =	sld [smem:$0x3FAB]  }
0x2b: {  	s6 =	sld [smem:$0x3FAC]  }
0x2c: {  	s7 =	sld [smem:$0x3FAD]  }
0x2d: {  	s3 =	simm.s32 $0x108;
	s8 =	sld [smem:$0x3FAE]  }
0x2e: {  	s3 =	simm.s32 @!p0 $0x1082;
	s9 =	sld [smem:$0x3FAF]  }
0x2f: {  	lr =	sadd.s32 s0, s3;
	s0 =	sld [smem:$0x3FA6]  }
0x30: {  	s3 =	sld [smem:$0x3FA9]  }
0x31: {  	[smem:$0x3FB2] =	sst s10  }
0x32: {  	s10 =	sld [smem:$0x3FB0];
	_ =	sdelay $0x3  }
0x33: {  	p0 =	seq.s32 s10, $0x1;
	s10 =	sld [smem:$0x3FB2];
	_ =	sdelay $0x3  }
0x34: {  	[smem:$0x3FB2] =	sst s10  }
0x35: {  	s10 =	sld [smem:$0x3FB1];
	_ =	sdelay $0x3  }
0x36: {  	p1 =	seq.s32 s10, $0x1;
	s10 =	sld [smem:$0x3FB2];
	_ =	sdelay $0x3  }
0x37: {  	[smem:$0x3FB2] =	sst s10  }
0x38: {  	s10 =	sld [smem:$0x3FB3]  }
0x39: {  	_ = 	snop;
	(pc) =	sbr.ind lr, $3  }
0x3a: {  	_ = 	snop  }
0x3b: {  	_ = 	snop  }
0x3c: {  	p2 =	seq.s32 s10, $0x1;
	s10 =	sld [smem:$0x3FB2]  }
0x3d: {  	_ =	shalt  }
0x3e: {  	_ =	shalt  }
0x3f: {  	_ =	shalt  }
0x40: {  	_ =	shalt  }
0x41: {  	_ =	shalt  }
0x42: {  	_ =	shalt  }
0x43: {  	_ =	shalt  }
0x44: {  	_ =	shalt  }
0x45: {  	_ =	shalt  }
0x46: {  	_ =	shalt  }
0x47: {  	_ =	shalt  }
0x48: {  	_ =	shalt  }
0x49: {  	_ =	shalt  }
0x4a: {  	_ =	shalt  }
0x4b: {  	_ =	shalt  }
0x4c: {  	_ =	shalt  }
0x4d: {  	_ =	shalt  }
0x4e: {  	_ =	shalt  }
0x4f: {  	_ =	shalt  }
0x50: {  	_ =	shalt  }
0x51: {  	_ =	shalt  }
0x52: {  	_ =	shalt  }
0x53: {  	_ =	shalt  }
0x54: {  	_ =	shalt  }
0x55: {  	_ =	shalt  }
0x56: {  	_ =	shalt  }
0x57: {  	_ =	shalt  }
0x58: {  	_ =	shalt  }
0x59: {  	_ =	shalt  }
0x5a: {  	_ =	shalt  }
0x5b: {  	_ =	shalt  }
0x5c: {  	_ =	shalt  }
0x5d: {  	_ =	shalt  }
0x5e: {  	_ =	shalt  }
0x5f: {  	_ =	shalt  }
0x60: {  	_ =	shalt  }
0x61: {  	_ =	shalt  }
0x62: {  	_ =	shalt  }
0x63: {  	_ =	shalt  }
0x64: {  	_ =	shalt  }
0x65: {  	_ =	shalt  }
0x66: {  	_ =	shalt  }
0x67: {  	_ =	shalt  }
0x68: {  	_ =	shalt  }
0x69: {  	_ =	shalt  }
0x6a: {  	_ =	shalt  }
0x6b: {  	_ =	shalt  }
0x6c: {  	_ =	shalt  }
0x6d: {  	_ =	shalt  }
0x6e: {  	_ =	shalt  }
0x6f: {  	_ =	shalt  }
0x70: {  	_ =	shalt  }
0x71: {  	_ =	shalt  }
0x72: {  	_ =	shalt  }
0x73: {  	_ =	shalt  }
0x74: {  	_ =	shalt  }
0x75: {  	_ =	shalt  }
0x76: {  	_ =	shalt  }
0x77: {  	_ =	shalt  }
0x78: {  	_ =	shalt  }
0x79: {  	_ =	shalt  }
0x7a: {  	_ =	shalt  }
0x7b: {  	_ =	shalt  }
0x7c: {  	_ =	shalt  }
0x7d: {  	_ =	shalt  }
0x7e: {  	_ =	shalt  }
0x7f: {  	_ =	shalt  }
0x80: {  	_ =	shalt  }
0x81: {  	_ =	shalt  }
0x82: {  	_ =	shalt  }
0x83: {  	_ =	shalt  }
0x84: {  	_ =	shalt  }
0x85: {  	_ =	shalt  }
0x86: {  	_ =	shalt  }
0x87: {  	_ =	shalt  }
.Lfunc_end0:
.L_simem_size_0:
called_computation.1_lowered:
.L_overlay_start_0:
0x88: {  	s2 =	sld [smem:$0x3FD9]  }
0x89: {  	s3 =	sld [smem:$0x3FFE];
	_ =	sdelay $0x1  }
0x8a: {  	s1 =	srdreg.scid  }
0x8b: {  	s0 =	sand.u32 $0x1, s1  }
0x8c: {  	s17 =	sshll.u32 s0, $0xA;
	s2 =	sadd.s32 s3, s2  }
0x8d: {  	s2 =	sadd.s32 s2, s17  }
0x8e: {  	[smem:$0x3FBE] =	sst s2  }
0x8f: {  	_ = 	snop  }
0x90: {  	s2 =	sld [smem:$0x3FD0];
	(tm) =	ssettm $0x1  }
0x91: {  	s18 =	sld [smem:$0x3FFB];
	_ =	sdelay $0x3  }
0x92: {  	_ =	strace s18  }
0x93: {  	s3 =	sld [smem:$0x3FFC];
	_ =	sdelay $0x3  }
0x94: {  	_ =	strace s3  }
0x95: {  	s3 =	sld [smem:$0x3FFD];
	_ =	sdelay $0x3  }
0x96: {  	_ =	strace s3  }
0x97: {  	_ =	strace $0x8FFFFFFF  }
0x98: {  	s19 =	sld [smem:$0x3FDB];
	_ =	sdelay $0x1  }
0x99: {  	s4 =	simm.s32 $_scs_section_size  }
0x9a: {  	s5 =	simm.s32 $_size__tile_overlayer_lowered;
	s6 =	simm.s32 $_tile_overlayer_lowered  }
0x9b: {  	s22 =	simm.s32 $0x1BFF;
	s21 =	sshll.u32 s6, $0x1;
	s3 =	sadd.s32 s4, s19  }
0x9c: {  	s7 =	simm.s32 $0x0;
	s20 =	sshll.u32 s5, $0x1;
	s5 =	sadd.s32 s21, s3  }
0x9d: {  	[timem:s7], [sflag:s22] =	dma.local [hbm:s5], s20  }
0x9e: {  	_ =	swait.ge [sflag:s22], s20  }
0x9f: {  	s4 =	ssub.s32 $0x0, s20;
	[sflag:s22] =	ssyncset.done $0x0  }
0xa0: {  	[sflag:s22] =	ssyncadd.s32 s4;
	_ =	sdelay $0x1  }
0xa1: {  	s23 =	simm.s32 $0x1B8B  }
0xa2: {  	_ =	swait.ge [sflag:s23], $0x1  }
0xa3: {  	[sflag:s23] =	ssyncset.done $0x0  }
0xa4: {  	s25 =	simm.s32 $0x1B8E;
	s24 =	sld [smem:$0x3FFE];
	[sflag:s23] =	ssyncadd.s32 $0xFFFFFFFF  }
0xa5: {  	s26 =	simm.s32 $execute0_lowered;
	[smem:$0x3FD2] =	sst s25  }
0xa6: {  	s5 =	sshll.u32 s26, $0x1;
	_ =	strace $0x80000049;
	[dreg:$0x1] =	wrdreg $0xFFFFFFFF  }
0xa7: {  	s28 =	simm.s32 $_size_execute0_lowered;
	s3 =	sadd.s32 s3, s5;
	[dreg:$0x0] =	wrdreg $0x0  }
0xa8: {  	s5 =	sshll.u32 s28, $0x1;
	[dreg:$0x2] =	wrdreg s3  }
0xa9: {  	[dreg:$0x3] =	wrdreg s5  }
0xaa: {  	[dreg:$0x4] =	wrdreg $0xC0  }
0xab: {  	_ =	task [dreg:s7], $0x5FFFF  }
0xac: {  	[dreg:$0x1] =	wrdreg $0xFFFFFFFF  }
0xad: {  	[dreg:$0x0] =	wrdreg $0x60  }
0xae: {  	[dreg:$0x2] =	wrdreg s2  }
0xaf: {  	[dreg:$0x3] =	wrdreg s24  }
0xb0: {  	[dreg:$0x4] =	wrdreg $0x41000  }
0xb1: {  	[dreg:$0x5] =	wrdreg $0x9  }
0xb2: {  	_ =	task.clear_ibuf [dreg:s7], $0x6FFFF;
	_ =	strace $0x90000049  }
0xb3: {  	s29 =	simm.s32 $0x9;
	_ =	strace $0x8000004B  }
0xb4: {  	_ =	swait.ge [sflag:s29], $0x1  }
0xb5: {  	[sflag:s29] =	ssyncadd.s32 $0xFFFFFFFF  }
0xb6: {  	_ =	strace $0x9000004B  }
0xb7: {  	_ =	sfence  }
0xb8: {  	s30 =	sld [smem:$0x0];
	_ =	sdelay $0x2  }
0xb9: {  	s31 =	sshll.u32 s1, $0xD;
	s1 =	sshrl.u32 s1, $0x2  }
0xba: {  	s3 =	sand.u32 $0x4000, s31;
	s1 =	sadd.s32 s1, s30  }
0xbb: {  	s0 =	sor.u32 s3, s0;
	s1 =	sshll.u32 s1, $0x11  }
0xbc: {  	s0 =	sor.u32 s1, s0  }
0xbd: {  	s0 =	sadd.s32 $0x8F2B, s0  }
0xbe: {  	[sflag:s0] =	ssyncadd.remote.s32 $0x1  }
0xbf: {  	_ =	sfence.sel $0xFFFF  }
0xc0: {  	[dreg:$0x0] =	wrdreg $0xFFFFFFFF;
	(pc) =	sbr.abs _section_cstart, $3  }
0xc1: {  	[dreg:$0x1] =	wrdreg $0xFFFFFFFF  }
0xc2: {  	_ =	task.clear_ibuf [dreg:s7], $0x2FFFF;
	_ =	strace $0x9FFFFFFF  }
0xc3: {  	(tm) =	ssettm $0x7FFFFFFF  }
tec
execute0_lowered:
.L_overlay_start_1:
0x0: {  	(tag) =	ssettag $0x1  }
0x1: {  	s2 =	rddreg [dreg:$0x0]  }
0x2: {  	s7 =	rddreg [dreg:$0x1]  }
0x3: {  	s3 =	rddreg [dreg:$0x2];
	s0 =	stileid.u32  }
0x4: {  	s5 =	srdreg.scid;
	s1 =	rddreg [dreg:$0x3]  }
0x5: {  	s4 =	simm.s32 $0x0;
	s15 =	simm.s32 $0x100;
	s16 =	simm.s32 $0x1  }
0x6: {  	s17 =	simm.s32 $0x0;
	s8 =	smul.u32 $0x13C00, s0;
	s9 =	sand.u32 $0x1, s5  }
0x7: {  	[smem:$0x7FF] =	sst s4;
	s5 =	sadd.s32 $0xC000, s7;
	s6 =	sadd.s32 $0x2000, s7  }
0x8: {  	s13 =	smul.u32 $0x4F000, s0;
	s29 =	sshll.u32 s0, $0x1;
	s31 =	sshll.u32 s0, $0x6  }
0x9: {  	s10 =	smul.u32 $0x13C000, s9;
	_ =	strace $0x8000004A;
	s28 =	ssub.s32 $0x2, s9  }
0xa: {  	s9 =	sor.u32 s9, s29;
	s26 =	sshrl.u32 s8, $0x3;
	s12 =	sshrl.u32 s28, $0x1  }
0xb: {  	s30 =	sshrl.u32 s13, $0x2;
	s9 =	smul.u32 $0x2800, s9;
	s8 =	sadd.s32 s8, s10  }
0xc: {  	s11 =	sadd.s32 s26, s7;
	s12 =	ssub.s32 s28, s12;
	s8 =	sshrl.u32 s8, $0x3  }
0xd: {  	s13 =	sadd.s32 s30, s3;
	s14 =	sadd.s32 s8, s7;
	s7 =	sadd.s32 $0x16000, s11  }
0xe: {  	s8 =	sor.u32 $0x1C02, s31;
	s11 =	smax.u32 s12, $0x1;
	s12 =	sshrl.u32 s13, $0x3  }
0xf: {  	s13 =	simm.s32 $0x2;
	s10 =	sadd.s32 $0x3D800, s14;
	s14 =	simm.s32 $0x80  }
.LBB2_1:
0x10: {  	[spmem:s12], [sflag:s8] =	dma.local [hbm:s7], $0x2780  }
0x11: {  	s18 =	sand.u32 $0x3C00, s4  }
0x12: {  	s19 =	sand.u32 $0x380, s4;
	_ =	swait.ge [sflag:s13], $0x2780;
	s18 =	sadd.s32 s9, s18  }
0x13: {  	[sflag:s13] =	ssyncset.done $0x0;
	s18 =	sor.u32 s19, s18  }
0x14: {  	[sflag:s13] =	ssyncadd.s32 $0xFFFFD880;
	s18 =	sshrl.u32 s18, $0x3  }
0x15: {  	[bflag:$0x0] =	sbarrier.arrive $0xFFFF;
	s29 =	sadd.s32 s5, s18  }
0x16: {  	[tilespmem:s4], [sflag:$0x2] =	stream.linear.gather [hbm4b:s29+s4], $0x80, $0x38;
	[tilespmem:$0x17D00] =	vst v63  }
0x17: {  	_ =	swait.ge [sflag:s13], $0x80  }
0x18: {  	[sflag:s13] =	ssyncset.done $0x0  }
0x19: {  	s18 =	sadd.s32 s6, s18;
	[sflag:s13] =	ssyncadd.s32 $0xFFFFFF80  }
0x1a: {  	[tilespmem:s14], [sflag:$0x2] =	stream.linear.gather [hbm4b:s18+s4], $0x80, $0x38;
	[tilespmem:$0x17D00] =	vst v63  }
0x1b: {  	_ =	swait.ge [sflag:s13], $0x80  }
0x1c: {  	[sflag:s13] =	ssyncset.done $0x0  }
0x1d: {  	[sflag:s13] =	ssyncadd.s32 $0xFFFFFF80  }
0x1e: {  	[tilespmem:s15], [sflag:$0x1] =	stream.indirect.gather [hbm4b:s2+s14], $0x80, s4, s14, $0xb8;
	[tilespmem:$0x17D00] =	vst v63  }
0x1f: {  	_ =	swait.ge [sflag:s16], $0x4000  }
0x20: {  	s30 =	simm.s32 $0x80;
	[sflag:s16] =	ssyncset.done $0x0  }
0x21: {  	s31 =	sand.u32 $0x3C00, s30;
	[sflag:s16] =	ssyncadd.s32 $0xFFFFC000  }
0x22: {  	[spmem:s3] =	stream.indirect.scatter.add.f32 [tilespmem:s15], [sflag:$0x2], $0x80, s14, s14, $0xb8;
	[tilespmem:$0x17D00] =	vst v63  }
0x23: {  	s20 =	sand.u32 $0x380, s30;
	s19 =	sadd.s32 s9, s31;
	_ =	swait.ge [sflag:s13], $0x4000  }
0x24: {  	s19 =	sor.u32 s20, s19;
	s18 =	simm.s32 $0x100;
	[sflag:s13] =	ssyncset.done $0x0  }
.LBB2_2:
0x25: {  	s19 =	sshrl.u32 s19, $0x3  }
0x26: {  	[sflag:s13] =	ssyncadd.s32 $0xFFFFC000;
	s20 =	smov.u32 s18;
	s21 =	sadd.s32 $0x80, s18  }
0x27: {  	p0 =	sne.s32 s18, $0x2700;
	s18 =	sadd.s32 s5, s19  }
0x28: {  	[tilespmem:s4], [sflag:$0x2] =	stream.linear.gather [hbm4b:s18+s4], $0x80, $0x38;
	[tilespmem:$0x17D00] =	vst v63  }
0x29: {  	_ =	swait.ge [sflag:s13], $0x80  }
0x2a: {  	[sflag:s13] =	ssyncset.done $0x0  }
0x2b: {  	s18 =	sadd.s32 s6, s19;
	[sflag:s13] =	ssyncadd.s32 $0xFFFFFF80  }
0x2c: {  	[tilespmem:s14], [sflag:$0x2] =	stream.linear.gather [hbm4b:s18+s4], $0x80, $0x38;
	[tilespmem:$0x17D00] =	vst v63  }
0x2d: {  	_ =	swait.ge [sflag:s13], $0x80  }
0x2e: {  	[sflag:s13] =	ssyncset.done $0x0  }
0x2f: {  	[sflag:s13] =	ssyncadd.s32 $0xFFFFFF80  }
0x30: {  	[tilespmem:s15], [sflag:$0x1] =	stream.indirect.gather [hbm4b:s2+s14], $0x80, s4, s14, $0xb8;
	[tilespmem:$0x17D00] =	vst v63  }
0x31: {  	_ =	swait.ge [sflag:s16], $0x4000  }
.Ltmp0:
0x32: {  	[sflag:s16] =	ssyncset.done $0x0;
	(pc) =	sbr.rel @p0 .LBB2_2-.Ltmp0, $4  }
0x33: {  	s18 =	sand.u32 $0x3C00, s20;
	[sflag:s16] =	ssyncadd.s32 $0xFFFFC000  }
0x34: {  	[spmem:s3] =	stream.indirect.scatter.add.f32 [tilespmem:s15], [sflag:$0x2], $0x80, s14, s14, $0xb8;
	[tilespmem:$0x17D00] =	vst v63  }
0x35: {  	s19 =	sand.u32 $0x380, s20;
	s18 =	sadd.s32 s9, s18;
	_ =	swait.ge [sflag:s13], $0x4000  }
0x36: {  	s19 =	sor.u32 s19, s18;
	s18 =	smov.u32 s21;
	[sflag:s13] =	ssyncset.done $0x0  }
0x37: {  	s18 =	sshrl.u32 s19, $0x3  }
0x38: {  	[sflag:s13] =	ssyncadd.s32 $0xFFFFC000;
	s19 =	sadd.s32 s5, s18  }
0x39: {  	[tilespmem:s4], [sflag:$0x2] =	stream.linear.gather [hbm4b:s19+s4], $0x80, $0x38;
	[tilespmem:$0x17D00] =	vst v63  }
0x3a: {  	_ =	swait.ge [sflag:s13], $0x80  }
0x3b: {  	[sflag:s13] =	ssyncset.done $0x0  }
0x3c: {  	s18 =	sadd.s32 s6, s18;
	[sflag:s13] =	ssyncadd.s32 $0xFFFFFF80  }
0x3d: {  	[tilespmem:s14], [sflag:$0x2] =	stream.linear.gather [hbm4b:s18+s4], $0x80, $0x38;
	[tilespmem:$0x17D00] =	vst v63  }
0x3e: {  	_ =	swait.ge [sflag:s13], $0x80  }
0x3f: {  	[sflag:s13] =	ssyncset.done $0x0  }
0x40: {  	[sflag:s13] =	ssyncadd.s32 $0xFFFFFF80  }
0x41: {  	[tilespmem:s15], [sflag:$0x1] =	stream.indirect.gather [hbm4b:s2+s14], $0x80, s4, s14, $0xb8;
	[tilespmem:$0x17D00] =	vst v63  }
0x42: {  	_ =	swait.ge [sflag:s16], $0x4000  }
0x43: {  	[sflag:s16] =	ssyncset.done $0x0  }
0x44: {  	[sflag:s16] =	ssyncadd.s32 $0xFFFFC000  }
0x45: {  	[spmem:s3] =	stream.indirect.scatter.add.f32 [tilespmem:s15], [sflag:$0x2], $0x80, s14, s14, $0xb8;
	[tilespmem:$0x17D00] =	vst v63  }
0x46: {  	_ =	swait.ge [sflag:s13], $0x4000  }
0x47: {  	s17 =	sadd.s32 $0x1, s17;
	[sflag:s13] =	ssyncset.done $0x0  }
0x48: {  	p0 =	sne.s32 s17, s11;
	[sflag:s13] =	ssyncadd.s32 $0xFFFFC000  }
.Ltmp1:
0x49: {  	[bflag:$0x0] =	sbarrier.arrive $0xFFFF;
	(pc) =	sbr.rel @p0 .LBB2_1-.Ltmp1, $4  }
0x4a: {  	[hbm:s10], [sflag:s8] =	dma.local [spmem:s12], $0x2780  }
0x4b: {  	_ =	swait.ge [sflag:s13], $0x2780  }
0x4c: {  	[sflag:s13] =	ssyncset.done $0x0  }
0x4d: {  	[sflag:s13] =	ssyncadd.s32 $0xFFFFD880  }
0x4e: {  	_ =	sfence.sel $0x180000  }
0x4f: {  	[bflag:$0x0] =	sbarrier.arrive $0xFFFF  }
0x50: {  	p0 =	sne.s32 s0, $0x0;
	_ =	strace $0x9000004A  }
0x51: {  	s0 =	sadd.s32 @!p0 $0x100000, s1;
	[bflag:$0x2] =	sbarrier.arrive $0xFFFF  }
0x52: {  	[sflag:s0] =	ssyncadd.tile.s32 @!p0 $0x1;
	_ =	shalt  }
.Lfunc_end2:
_tile_overlayer_lowered:
.L_overlay_start_2:
0x53: {  	(tag) =	ssettag $0x2  }
0x54: {  	s0 =	rddreg [dreg:$0x0];
	s2 =	stileid.u32  }
0x55: {  	s1 =	rddreg [dreg:$0x1];
	p0 =	sne.s32 s2, $0x0  }
0x56: {  	s3 =	rddreg [dreg:$0x2];
	[bflag:$0x3] =	sbarrier.arrive $0xFFFF;
	s2 =	simm.s32 @!p0 $0x1C02  }
0x57: {  	[timem:s3], [sflag:s2] =	dma.local @!p0 [hbm:s0], s1  }
0x58: {  	s0 =	simm.s32 @!p0 $0x2  }
0x59: {  	_ =	swait.ge @!p0 [sflag:s0], s1  }
0x5a: {  	s1 =	ssub.s32 @!p0 $0x0, s1;
	[sflag:s0] =	ssyncset.done @!p0 $0x0  }
0x5b: {  	[sflag:s0] =	ssyncadd.s32 @!p0 s1  }
0x5c: {  	[bflag:$0x3] =	sbarrier.arrive $0xFFFF  }
0x5d: {  	_ =	shalt  }

</sc_bundles>
